<compile_context>
chip_gen: v7x
topology: tpu7x:2x2x1
jax: 0.10.2.dev20260603
libtpu: 0.0.44.dev20260713+nightly
codegen_flags: <defaults>
</compile_context>

<pallas_src>
import functools

import jax
import jax.numpy as jnp
from jax import lax
from jax.experimental import pallas as pl
from jax.experimental.pallas import tpu as pltpu
from jax.experimental.pallas import tpu_sc as plsc

_VOCAB = 100000
_DIM = 64
_BATCH = 4096
_HIST = 50

_NUM_WORKERS = 32
_ROWS_W = _BATCH // _NUM_WORKERS
_L = 16


def _transpose_block(gbuf, tbuf, st_idx, s_idx):

    @plsc.parallel_loop(0, _ROWS_W, unroll=8)
    def _t(l):
        lv = lax.broadcast(l, (_L,))
        for k in range(4):
            v = gbuf[l, pl.ds(k * _L, _L)]
            plsc.store_scatter(tbuf, [st_idx[k], s_idx[k], lv], v)


def _emb_body(idx_hbm, table_hbm, out_hbm,
              idx_v, gbuf_a, gbuf_b, tbuf_a, tbuf_b,
              gsems, osems):
    wid = lax.axis_index("s") * 2 + lax.axis_index("c")

    pltpu.sync_copy(idx_hbm.at[wid], idx_v)

    def gather(h, gbuf, gs):
        pltpu.async_copy(table_hbm.at[idx_v.at[h]], gbuf, gsems.at[gs])

    def wait_gather(gbuf, gs):
        pltpu.make_async_copy(
            table_hbm.at[idx_v.at[0]], gbuf, gsems.at[gs]
        ).wait()

    def put(h, tbuf, os):
        pltpu.async_copy(
            tbuf.at[:, :, pl.ds(0, 128)], out_hbm.at[h, :, wid], osems.at[os]
        )

    def wait_put(tbuf, os):
        pltpu.make_async_copy(
            tbuf.at[:, :, pl.ds(0, 128)], out_hbm.at[0, :, wid], osems.at[os]
        ).wait()

    iota = lax.iota(jnp.int32, _L)
    st_idx = [lax.shift_right_logical(k * _L + iota, 3) for k in range(4)]
    s_idx = [lax.bitwise_and(k * _L + iota, 7) for k in range(4)]

    gather(0, gbuf_a, 0)

    def body(i, carry):
        h0 = 2 * i
        gather(h0 + 1, gbuf_b, 1)
        wait_gather(gbuf_a, 0)

        @pl.when(i > 0)
        def _drain_a():
            wait_put(tbuf_a, 0)

        _transpose_block(gbuf_a, tbuf_a, st_idx, s_idx)
        put(h0, tbuf_a, 0)

        @pl.when(h0 + 2 < _HIST)
        def _next_a():
            gather(h0 + 2, gbuf_a, 0)

        wait_gather(gbuf_b, 1)

        @pl.when(i > 0)
        def _drain_b():
            wait_put(tbuf_b, 1)

        _transpose_block(gbuf_b, tbuf_b, st_idx, s_idx)
        put(h0 + 1, tbuf_b, 1)
        return carry

    lax.fori_loop(0, _HIST // 2, body, 0)

    wait_put(tbuf_a, 0)
    wait_put(tbuf_b, 1)


_emb_kernel = functools.partial(
    pl.kernel,
    out_type=jax.ShapeDtypeStruct((_HIST, 8, _NUM_WORKERS, 8, 128), jnp.float32),
    mesh=plsc.VectorSubcoreMesh(core_axis_name="c", subcore_axis_name="s"),
    scratch_types=[
        pltpu.VMEM((_HIST, _ROWS_W), jnp.int32),
        pltpu.VMEM((_ROWS_W, _DIM), jnp.float32),
        pltpu.VMEM((_ROWS_W, _DIM), jnp.float32),
        pltpu.VMEM((8, 8, 137), jnp.float32),
        pltpu.VMEM((8, 8, 137), jnp.float32),
        pltpu.SemaphoreType.DMA((2,)),
        pltpu.SemaphoreType.DMA((2,)),
    ],
    compiler_params=pltpu.CompilerParams(
        use_tc_tiling_on_sc=False, needs_layout_passes=False
    ),
)(_emb_body)


def kernel(indices, embedding):
    idx_t = indices.reshape(_NUM_WORKERS, _ROWS_W, _HIST).transpose(0, 2, 1)
    out5 = _emb_kernel(idx_t, embedding)
    return out5.transpose(2, 4, 0, 1, 3).reshape(_BATCH, _HIST, _DIM)

# --- scband reference (transcript-rebuilt; emitter-appended) ---
"""Pipeline reference for scband-embedding-37426345017662 (READ-ONLY COPY).

The authoritative reference and input builder live on the scoring server;
editing this copy changes nothing except your own understanding.
"""

import jax, jax.numpy as jnp
import numpy as np

VOCAB = 100000
EMBED_DIM = 64
BATCH = 4096
HIST = 50

def setup_inputs(seed: int = 0) -> dict:
    key = jax.random.key(seed)
    k1, k2 = jax.random.split(key)
    indices = jax.random.randint(k1, (BATCH, HIST), 0, VOCAB, dtype=jnp.int64 if jax.config.jax_enable_x64 else jnp.int32).astype(jnp.int32)
    # glorot-uniform init for the embedding table, matching glorot([vocab, dim])
    limit = np.sqrt(6.0 / (VOCAB + EMBED_DIM)).astype(np.float32)
    embedding = jax.random.uniform(k2, (VOCAB, EMBED_DIM), minval=-limit, maxval=limit, dtype=jnp.float32)
    return {"indices": indices, "embedding": embedding}

def reference(indices, embedding):
    # tf.nn.embedding_lookup(embedding, inputs)
    x_embed = jnp.take(embedding, indices, axis=0)
    # dropout=False in init -> rate 0.0, tf.nn.dropout with rate 0 is identity
    return x_embed

if __name__ == "__main__":
    import jax
    _d = setup_inputs()
    print(jax.jit(kernel)(*tuple(_d.values())))

</pallas_src>

<mosaic_0001>
#map = affine_map<(d0, d1) -> (0, 0, 0)>
#map1 = affine_map<(d0, d1) -> (0, 0)>
#map2 = affine_map<(d0, d1) -> (0, 0, 0, 0, 0)>
module attributes {stable_mosaic.version = 14 : i64} {
  func.func @_emb_body(%arg0: i32, %arg1: i32, %arg2: memref<32x50x128xi32, #tpu.memory_space<hbm>>, %arg3: memref<100000x64xf32, #tpu.memory_space<hbm>>, %arg4: memref<50x8x32x8x128xf32, #tpu.memory_space<hbm>>, %arg5: memref<50x128xi32, #tpu.memory_space<vmem>>, %arg6: memref<128x64xf32, #tpu.memory_space<vmem>>, %arg7: memref<128x64xf32, #tpu.memory_space<vmem>>, %arg8: memref<8x8x137xf32, #tpu.memory_space<vmem>>, %arg9: memref<8x8x137xf32, #tpu.memory_space<vmem>>, %arg10: memref<2x!tpu.dma_semaphore, #tpu.memory_space<semaphore_mem>>, %arg11: memref<2x!tpu.dma_semaphore, #tpu.memory_space<semaphore_mem>>) attributes {dimension_semantics = [#tpu.dimension_semantics<core_parallel>, #tpu.dimension_semantics<subcore_parallel>], iteration_bounds = array<i64: 2, 16>, scalar_prefetch = 0 : i64, scratch_operands = 7 : i64, tpu.core_type = #tpu.core_type<sc_vector_subcore>, window_params = [{transform_indices = #map}, {transform_indices = #map1}, {transform_indices = #map2}]} {
    %mul3A = arith.constant 2 : i32
    %mul3A_0 = arith.muli %arg1, %mul3A : i32
    %add3A = arith.addi %mul3A_0, %arg0 : i32
    "tpu.region"() ({
      %run_scoped3A = tpu.sem_alloc : memref<!tpu.dma_semaphore, #tpu.memory_space<semaphore_mem>>
      %dma_start3A_104 = arith.constant 0 : i32
      %dma_start3A_105 = arith.constant 0 : i32
      %dma_start3A_106 = tpu.memref_slice %arg2[%add3A, %dma_start3A_104, %dma_start3A_105] : memref<32x50x128xi32, #tpu.memory_space<hbm>> -> memref<1x50x128xi32, #tpu.memory_space<hbm>>
      %dma_start3A_107 = tpu.memref_squeeze %dma_start3A_106 : memref<1x50x128xi32, #tpu.memory_space<hbm>> -> memref<50x128xi32, #tpu.memory_space<hbm>>
      %dma_start3A_108 = arith.constant 0 : i32
      %dma_start3A_109 = arith.constant 0 : i32
      %dma_start3A_110 = tpu.memref_slice %arg2[%add3A, %dma_start3A_108, %dma_start3A_109] : memref<32x50x128xi32, #tpu.memory_space<hbm>> -> memref<1x50x128xi32, #tpu.memory_space<hbm>>
      %dma_start3A_111 = tpu.memref_squeeze %dma_start3A_110 : memref<1x50x128xi32, #tpu.memory_space<hbm>> -> memref<50x128xi32, #tpu.memory_space<hbm>>
      tpu.enqueue_dma source(%dma_start3A_111 : memref<50x128xi32, #tpu.memory_space<hbm>>) target(%arg5 : memref<50x128xi32, #tpu.memory_space<vmem>>) target_semaphore(%run_scoped3A : memref<!tpu.dma_semaphore, #tpu.memory_space<semaphore_mem>>)
      %dma_wait3A_112 = arith.constant 0 : i32
      %dma_wait3A_113 = arith.constant 0 : i32
      %dma_wait3A_114 = tpu.memref_slice %arg2[%add3A, %dma_wait3A_112, %dma_wait3A_113] : memref<32x50x128xi32, #tpu.memory_space<hbm>> -> memref<1x50x128xi32, #tpu.memory_space<hbm>>
      %dma_wait3A_115 = tpu.memref_squeeze %dma_wait3A_114 : memref<1x50x128xi32, #tpu.memory_space<hbm>> -> memref<50x128xi32, #tpu.memory_space<hbm>>
      %dma_wait3A_116 = arith.constant 0 : i32
      %dma_wait3A_117 = arith.constant 0 : i32
      %dma_wait3A_118 = tpu.memref_slice %arg2[%add3A, %dma_wait3A_116, %dma_wait3A_117] : memref<32x50x128xi32, #tpu.memory_space<hbm>> -> memref<1x50x128xi32, #tpu.memory_space<hbm>>
      %dma_wait3A_119 = tpu.memref_squeeze %dma_wait3A_118 : memref<1x50x128xi32, #tpu.memory_space<hbm>> -> memref<50x128xi32, #tpu.memory_space<hbm>>
      tpu.wait_dma2 semaphore(%run_scoped3A : memref<!tpu.dma_semaphore, #tpu.memory_space<semaphore_mem>>) src(%dma_wait3A_119 : memref<50x128xi32, #tpu.memory_space<hbm>>) dst(%arg5 : memref<50x128xi32, #tpu.memory_space<vmem>>)
      tpu.yield
    }) : () -> ()
    %iota3A = tpu.iota {dimensions = array<i32: 0>} : vector<16xi32>
    %add3A_1 = arith.constant 0 : i32
    %add3A_2 = vector.broadcast %add3A_1 : i32 to vector<16xi32>
    %add3A_3 = arith.addi %add3A_2, %iota3A : vector<16xi32>
    %shift_right_logical3A = arith.constant 3 : i32
    %shift_right_logical3A_4 = vector.broadcast %shift_right_logical3A : i32 to vector<16xi32>
    %shift_right_logical3A_5 = arith.shrui %add3A_3, %shift_right_logical3A_4 : vector<16xi32>
    %add3A_6 = arith.constant 16 : i32
    %add3A_7 = vector.broadcast %add3A_6 : i32 to vector<16xi32>
    %add3A_8 = arith.addi %add3A_7, %iota3A : vector<16xi32>
    %shift_right_logical3A_9 = arith.constant 3 : i32
    %shift_right_logical3A_10 = vector.broadcast %shift_right_logical3A_9 : i32 to vector<16xi32>
    %shift_right_logical3A_11 = arith.shrui %add3A_8, %shift_right_logical3A_10 : vector<16xi32>
    %add3A_12 = arith.constant 32 : i32
    %add3A_13 = vector.broadcast %add3A_12 : i32 to vector<16xi32>
    %add3A_14 = arith.addi %add3A_13, %iota3A : vector<16xi32>
    %shift_right_logical3A_15 = arith.constant 3 : i32
    %shift_right_logical3A_16 = vector.broadcast %shift_right_logical3A_15 : i32 to vector<16xi32>
    %shift_right_logical3A_17 = arith.shrui %add3A_14, %shift_right_logical3A_16 : vector<16xi32>
    %add3A_18 = arith.constant 48 : i32
    %add3A_19 = vector.broadcast %add3A_18 : i32 to vector<16xi32>
    %add3A_20 = arith.addi %add3A_19, %iota3A : vector<16xi32>
    %shift_right_logical3A_21 = arith.constant 3 : i32
    %shift_right_logical3A_22 = vector.broadcast %shift_right_logical3A_21 : i32 to vector<16xi32>
    %shift_right_logical3A_23 = arith.shrui %add3A_20, %shift_right_logical3A_22 : vector<16xi32>
    %add3A_24 = arith.constant 0 : i32
    %add3A_25 = vector.broadcast %add3A_24 : i32 to vector<16xi32>
    %add3A_26 = arith.addi %add3A_25, %iota3A : vector<16xi32>
    %and3A = arith.constant 7 : i32
    %and3A_27 = vector.broadcast %and3A : i32 to vector<16xi32>
    %and3A_28 = arith.andi %add3A_26, %and3A_27 : vector<16xi32>
    %add3A_29 = arith.constant 16 : i32
    %add3A_30 = vector.broadcast %add3A_29 : i32 to vector<16xi32>
    %add3A_31 = arith.addi %add3A_30, %iota3A : vector<16xi32>
    %and3A_32 = arith.constant 7 : i32
    %and3A_33 = vector.broadcast %and3A_32 : i32 to vector<16xi32>
    %and3A_34 = arith.andi %add3A_31, %and3A_33 : vector<16xi32>
    %add3A_35 = arith.constant 32 : i32
    %add3A_36 = vector.broadcast %add3A_35 : i32 to vector<16xi32>
    %add3A_37 = arith.addi %add3A_36, %iota3A : vector<16xi32>
    %and3A_38 = arith.constant 7 : i32
    %and3A_39 = vector.broadcast %and3A_38 : i32 to vector<16xi32>
    %and3A_40 = arith.andi %add3A_37, %and3A_39 : vector<16xi32>
    %add3A_41 = arith.constant 48 : i32
    %add3A_42 = vector.broadcast %add3A_41 : i32 to vector<16xi32>
    %add3A_43 = arith.addi %add3A_42, %iota3A : vector<16xi32>
    %and3A_44 = arith.constant 7 : i32
    %and3A_45 = vector.broadcast %and3A_44 : i32 to vector<16xi32>
    %and3A_46 = arith.andi %add3A_43, %and3A_45 : vector<16xi32>
    %dma_start3A = arith.constant 0 : i32
    %dma_start3A_47 = arith.constant 0 : i32
    %dma_start3A_48 = arith.constant 0 : i32
    %dma_start3A_49 = tpu.memref_slice %arg5[%dma_start3A, %dma_start3A_48] : memref<50x128xi32, #tpu.memory_space<vmem>> -> memref<1x128xi32, #tpu.memory_space<vmem>>
    %dma_start3A_50 = tpu.memref_squeeze %dma_start3A_49 : memref<1x128xi32, #tpu.memory_space<vmem>> -> memref<128xi32, #tpu.memory_space<vmem>>
    %dma_start3A_51 = arith.constant 0 : i32
    %dma_start3A_52 = arith.constant 0 : i32
    %dma_start3A_53 = tpu.memref_slice %arg3[%dma_start3A_51, %dma_start3A_52] : memref<100000x64xf32, #tpu.memory_space<hbm>> -> memref<100000x64xf32, #tpu.memory_space<hbm>>
    %dma_start3A_54 = tpu.memref_slice %arg10[%dma_start3A_47] : memref<2x!tpu.dma_semaphore, #tpu.memory_space<semaphore_mem>> -> memref<1x!tpu.dma_semaphore, #tpu.memory_space<semaphore_mem>>
    %dma_start3A_55 = tpu.memref_squeeze %dma_start3A_54 : memref<1x!tpu.dma_semaphore, #tpu.memory_space<semaphore_mem>> -> memref<!tpu.dma_semaphore, #tpu.memory_space<semaphore_mem>>
    tpu.enqueue_indirect_dma source(%dma_start3A_53 : memref<100000x64xf32, #tpu.memory_space<hbm>>) target(%arg6 : memref<128x64xf32, #tpu.memory_space<vmem>>) offsets(%dma_start3A_50 : memref<128xi32, #tpu.memory_space<vmem>>) semaphore(%dma_start3A_55 : memref<!tpu.dma_semaphore, #tpu.memory_space<semaphore_mem>>)
    %scan3A = arith.constant 0 : i32
    %scan3A_56 = arith.constant 0 : i32
    %scan3A_57 = arith.constant 25 : i32
    %scan3A_58 = arith.addi %scan3A_56, %scan3A_57 : i32
    %scan3A_59 = arith.constant 1 : i32
    scf.for %scan3A_104 = %scan3A_56 to %scan3A_58 step %scan3A_59  : i32 {
      %mul3A_105 = arith.constant 2 : i32
      %mul3A_106 = arith.muli %mul3A_105, %scan3A_104 : i32
      %add3A_107 = arith.constant 1 : i32
      %add3A_108 = arith.addi %mul3A_106, %add3A_107 : i32
      %dma_start3A_109 = arith.constant 1 : i32
      %dma_start3A_110 = arith.constant 0 : i32
      %dma_start3A_111 = tpu.memref_slice %arg5[%add3A_108, %dma_start3A_110] : memref<50x128xi32, #tpu.memory_space<vmem>> -> memref<1x128xi32, #tpu.memory_space<vmem>>
      %dma_start3A_112 = tpu.memref_squeeze %dma_start3A_111 : memref<1x128xi32, #tpu.memory_space<vmem>> -> memref<128xi32, #tpu.memory_space<vmem>>
      %dma_start3A_113 = arith.constant 0 : i32
      %dma_start3A_114 = arith.constant 0 : i32
      %dma_start3A_115 = tpu.memref_slice %arg3[%dma_start3A_113, %dma_start3A_114] : memref<100000x64xf32, #tpu.memory_space<hbm>> -> memref<100000x64xf32, #tpu.memory_space<hbm>>
      %dma_start3A_116 = tpu.memref_slice %arg10[%dma_start3A_109] : memref<2x!tpu.dma_semaphore, #tpu.memory_space<semaphore_mem>> -> memref<1x!tpu.dma_semaphore, #tpu.memory_space<semaphore_mem>>
      %dma_start3A_117 = tpu.memref_squeeze %dma_start3A_116 : memref<1x!tpu.dma_semaphore, #tpu.memory_space<semaphore_mem>> -> memref<!tpu.dma_semaphore, #tpu.memory_space<semaphore_mem>>
      tpu.enqueue_indirect_dma source(%dma_start3A_115 : memref<100000x64xf32, #tpu.memory_space<hbm>>) target(%arg7 : memref<128x64xf32, #tpu.memory_space<vmem>>) offsets(%dma_start3A_112 : memref<128xi32, #tpu.memory_space<vmem>>) semaphore(%dma_start3A_117 : memref<!tpu.dma_semaphore, #tpu.memory_space<semaphore_mem>>)
      %dma_wait3A_118 = arith.constant 0 : i32
      %dma_wait3A_119 = arith.constant 0 : i32
      %dma_wait3A_120 = arith.constant 0 : i32
      %dma_wait3A_121 = tpu.memref_slice %arg5[%dma_wait3A_118, %dma_wait3A_120] : memref<50x128xi32, #tpu.memory_space<vmem>> -> memref<1x128xi32, #tpu.memory_space<vmem>>
      %dma_wait3A_122 = tpu.memref_squeeze %dma_wait3A_121 : memref<1x128xi32, #tpu.memory_space<vmem>> -> memref<128xi32, #tpu.memory_space<vmem>>
      %dma_wait3A_123 = arith.constant 0 : i32
      %dma_wait3A_124 = arith.constant 0 : i32
      %dma_wait3A_125 = tpu.memref_slice %arg3[%dma_wait3A_123, %dma_wait3A_124] : memref<100000x64xf32, #tpu.memory_space<hbm>> -> memref<100000x64xf32, #tpu.memory_space<hbm>>
      %dma_wait3A_126 = tpu.memref_slice %arg10[%dma_wait3A_119] : memref<2x!tpu.dma_semaphore, #tpu.memory_space<semaphore_mem>> -> memref<1x!tpu.dma_semaphore, #tpu.memory_space<semaphore_mem>>
      %dma_wait3A_127 = tpu.memref_squeeze %dma_wait3A_126 : memref<1x!tpu.dma_semaphore, #tpu.memory_space<semaphore_mem>> -> memref<!tpu.dma_semaphore, #tpu.memory_space<semaphore_mem>>
      tpu.wait_indirect_dma semaphore(%dma_wait3A_127 : memref<!tpu.dma_semaphore, #tpu.memory_space<semaphore_mem>>) src(%dma_wait3A_125 : memref<100000x64xf32, #tpu.memory_space<hbm>>) dst(%arg6 : memref<128x64xf32, #tpu.memory_space<vmem>>)
      %gt3A = arith.constant 0 : i32
      %gt3A_128 = arith.cmpi sgt, %scan3A_104, %gt3A : i32
      %convert_element_type3A = arith.extui %gt3A_128 : i1 to i32
      %cond3A = arith.constant 0 : i32
      %cond3A_129 = arith.cmpi ne, %convert_element_type3A, %cond3A : i32
      scf.if %cond3A_129 {
        %dma_wait3A_200 = arith.constant 0 : i32
        %dma_wait3A_201 = arith.constant 0 : i32
        %dma_wait3A_202 = arith.constant 0 : i32
        %dma_wait3A_203 = arith.constant 0 : i32
        %dma_wait3A_204 = arith.constant 0 : i32
        %dma_wait3A_205 = tpu.memref_slice %arg8[%dma_wait3A_202, %dma_wait3A_203, %dma_wait3A_204] : memref<8x8x137xf32, #tpu.memory_space<vmem>> -> memref<8x8x128xf32, #tpu.memory_space<vmem>>
        %dma_wait3A_206 = arith.constant 0 : i32
        %dma_wait3A_207 = arith.constant 0 : i32
        %dma_wait3A_208 = arith.constant 0 : i32
        %dma_wait3A_209 = tpu.memref_slice %arg4[%dma_wait3A_200, %dma_wait3A_206, %add3A, %dma_wait3A_207, %dma_wait3A_208] : memref<50x8x32x8x128xf32, #tpu.memory_space<hbm>> -> memref<1x8x1x8x128xf32, #tpu.memory_space<hbm>>
        %dma_wait3A_210 = tpu.memref_squeeze %dma_wait3A_209 : memref<1x8x1x8x128xf32, #tpu.memory_space<hbm>> -> memref<8x8x128xf32, #tpu.memory_space<hbm>>
        %dma_wait3A_211 = tpu.memref_slice %arg11[%dma_wait3A_201] : memref<2x!tpu.dma_semaphore, #tpu.memory_space<semaphore_mem>> -> memref<1x!tpu.dma_semaphore, #tpu.memory_space<semaphore_mem>>
        %dma_wait3A_212 = tpu.memref_squeeze %dma_wait3A_211 : memref<1x!tpu.dma_semaphore, #tpu.memory_space<semaphore_mem>> -> memref<!tpu.dma_semaphore, #tpu.memory_space<semaphore_mem>>
        %dma_wait3A_213 = arith.constant 0 : i32
        %dma_wait3A_214 = arith.constant 0 : i32
        %dma_wait3A_215 = arith.constant 0 : i32
        %dma_wait3A_216 = tpu.memref_slice %arg4[%dma_wait3A_200, %dma_wait3A_213, %add3A, %dma_wait3A_214, %dma_wait3A_215] : memref<50x8x32x8x128xf32, #tpu.memory_space<hbm>> -> memref<1x8x1x8x128xf32, #tpu.memory_space<hbm>>
        %dma_wait3A_217 = tpu.memref_squeeze %dma_wait3A_216 : memref<1x8x1x8x128xf32, #tpu.memory_space<hbm>> -> memref<8x8x128xf32, #tpu.memory_space<hbm>>
        %dma_wait3A_218 = arith.constant 0 : i32
        %dma_wait3A_219 = arith.constant 0 : i32
        %dma_wait3A_220 = arith.constant 0 : i32
        %dma_wait3A_221 = tpu.memref_slice %arg8[%dma_wait3A_218, %dma_wait3A_219, %dma_wait3A_220] : memref<8x8x137xf32, #tpu.memory_space<vmem>> -> memref<8x8x128xf32, #tpu.memory_space<vmem>>
        tpu.wait_dma2 semaphore(%dma_wait3A_212 : memref<!tpu.dma_semaphore, #tpu.memory_space<semaphore_mem>>) src(%dma_wait3A_221 : memref<8x8x128xf32, #tpu.memory_space<vmem>>) dst(%dma_wait3A_217 : memref<8x8x128xf32, #tpu.memory_space<hbm>>)
      } else {
      }
      %parallel_loop3A = arith.constant 0 : i32
      %parallel_loop3A_130 = arith.constant 128 : i32
      %parallel_loop3A_131 = arith.constant 1 : i32
      scf.for %parallel_loop3A_200 = %parallel_loop3A to %parallel_loop3A_130 step %parallel_loop3A_131  : i32 {
        %parallel_loop3A_201 = vector.broadcast %parallel_loop3A_200 : i32 to vector<16xi32>
        %parallel_loop3A_202 = arith.index_cast %parallel_loop3A_200 : i32 to index
        %parallel_loop3A_203 = arith.constant 0 : index
        %parallel_loop3A_204 = tpu.vector_load %arg6[%parallel_loop3A_202, %parallel_loop3A_203] {strides = array<i32>} : memref<128x64xf32, #tpu.memory_space<vmem>>, vector<16xf32>,
        tpu.vector_store_idx %arg8[%shift_right_logical3A_5, %and3A_28, %parallel_loop3A_201], %parallel_loop3A_204 : memref<8x8x137xf32, #tpu.memory_space<vmem>>[vector<16xi32>, vector<16xi32>, vector<16xi32>], vector<16xf32>,
        %parallel_loop3A_205 = arith.index_cast %parallel_loop3A_200 : i32 to index
        %parallel_loop3A_206 = arith.constant 16 : index
        %parallel_loop3A_207 = tpu.vector_load %arg6[%parallel_loop3A_205, %parallel_loop3A_206] {strides = array<i32>} : memref<128x64xf32, #tpu.memory_space<vmem>>, vector<16xf32>,
        tpu.vector_store_idx %arg8[%shift_right_logical3A_11, %and3A_34, %parallel_loop3A_201], %parallel_loop3A_207 : memref<8x8x137xf32, #tpu.memory_space<vmem>>[vector<16xi32>, vector<16xi32>, vector<16xi32>], vector<16xf32>,
        %parallel_loop3A_208 = arith.index_cast %parallel_loop3A_200 : i32 to index
        %parallel_loop3A_209 = arith.constant 32 : index
        %parallel_loop3A_210 = tpu.vector_load %arg6[%parallel_loop3A_208, %parallel_loop3A_209] {strides = array<i32>} : memref<128x64xf32, #tpu.memory_space<vmem>>, vector<16xf32>,
        tpu.vector_store_idx %arg8[%shift_right_logical3A_17, %and3A_40, %parallel_loop3A_201], %parallel_loop3A_210 : memref<8x8x137xf32, #tpu.memory_space<vmem>>[vector<16xi32>, vector<16xi32>, vector<16xi32>], vector<16xf32>,
        %parallel_loop3A_211 = arith.index_cast %parallel_loop3A_200 : i32 to index
        %parallel_loop3A_212 = arith.constant 48 : index
        %parallel_loop3A_213 = tpu.vector_load %arg6[%parallel_loop3A_211, %parallel_loop3A_212] {strides = array<i32>} : memref<128x64xf32, #tpu.memory_space<vmem>>, vector<16xf32>,
        tpu.vector_store_idx %arg8[%shift_right_logical3A_23, %and3A_46, %parallel_loop3A_201], %parallel_loop3A_213 : memref<8x8x137xf32, #tpu.memory_space<vmem>>[vector<16xi32>, vector<16xi32>, vector<16xi32>], vector<16xf32>,
      } {sc.loop_unroll_factor = 8 : i64, sc.parallel_access}
      %dma_start3A_132 = arith.constant 0 : i32
      %dma_start3A_133 = arith.constant 0 : i32
      %dma_start3A_134 = arith.constant 0 : i32
      %dma_start3A_135 = arith.constant 0 : i32
      %dma_start3A_136 = tpu.memref_slice %arg8[%dma_start3A_133, %dma_start3A_134, %dma_start3A_135] : memref<8x8x137xf32, #tpu.memory_space<vmem>> -> memref<8x8x128xf32, #tpu.memory_space<vmem>>
      %dma_start3A_137 = arith.constant 0 : i32
      %dma_start3A_138 = arith.constant 0 : i32
      %dma_start3A_139 = arith.constant 0 : i32
      %dma_start3A_140 = tpu.memref_slice %arg4[%mul3A_106, %dma_start3A_137, %add3A, %dma_start3A_138, %dma_start3A_139] : memref<50x8x32x8x128xf32, #tpu.memory_space<hbm>> -> memref<1x8x1x8x128xf32, #tpu.memory_space<hbm>>
      %dma_start3A_141 = tpu.memref_squeeze %dma_start3A_140 : memref<1x8x1x8x128xf32, #tpu.memory_space<hbm>> -> memref<8x8x128xf32, #tpu.memory_space<hbm>>
      %dma_start3A_142 = tpu.memref_slice %arg11[%dma_start3A_132] : memref<2x!tpu.dma_semaphore, #tpu.memory_space<semaphore_mem>> -> memref<1x!tpu.dma_semaphore, #tpu.memory_space<semaphore_mem>>
      %dma_start3A_143 = tpu.memref_squeeze %dma_start3A_142 : memref<1x!tpu.dma_semaphore, #tpu.memory_space<semaphore_mem>> -> memref<!tpu.dma_semaphore, #tpu.memory_space<semaphore_mem>>
      %dma_start3A_144 = arith.constant 0 : i32
      %dma_start3A_145 = arith.constant 0 : i32
      %dma_start3A_146 = arith.constant 0 : i32
      %dma_start3A_147 = tpu.memref_slice %arg4[%mul3A_106, %dma_start3A_144, %add3A, %dma_start3A_145, %dma_start3A_146] : memref<50x8x32x8x128xf32, #tpu.memory_space<hbm>> -> memref<1x8x1x8x128xf32, #tpu.memory_space<hbm>>
      %dma_start3A_148 = tpu.memref_squeeze %dma_start3A_147 : memref<1x8x1x8x128xf32, #tpu.memory_space<hbm>> -> memref<8x8x128xf32, #tpu.memory_space<hbm>>
      %dma_start3A_149 = arith.constant 0 : i32
      %dma_start3A_150 = arith.constant 0 : i32
      %dma_start3A_151 = arith.constant 0 : i32
      %dma_start3A_152 = tpu.memref_slice %arg8[%dma_start3A_149, %dma_start3A_150, %dma_start3A_151] : memref<8x8x137xf32, #tpu.memory_space<vmem>> -> memref<8x8x128xf32, #tpu.memory_space<vmem>>
      tpu.enqueue_dma source(%dma_start3A_152 : memref<8x8x128xf32, #tpu.memory_space<vmem>>) target(%dma_start3A_148 : memref<8x8x128xf32, #tpu.memory_space<hbm>>) target_semaphore(%dma_start3A_143 : memref<!tpu.dma_semaphore, #tpu.memory_space<semaphore_mem>>)
      %add3A_153 = arith.constant 2 : i32
      %add3A_154 = arith.addi %mul3A_106, %add3A_153 : i32
      %lt3A = arith.constant 50 : i32
      %lt3A_155 = arith.cmpi slt, %add3A_154, %lt3A : i32
      %convert_element_type3A_156 = arith.extui %lt3A_155 : i1 to i32
      %cond3A_157 = arith.constant 0 : i32
      %cond3A_158 = arith.cmpi ne, %convert_element_type3A_156, %cond3A_157 : i32
      scf.if %cond3A_158 {
        %add3A_200 = arith.constant 2 : i32
        %add3A_201 = arith.addi %mul3A_106, %add3A_200 : i32
        %dma_start3A_202 = arith.constant 0 : i32
        %dma_start3A_203 = arith.constant 0 : i32
        %dma_start3A_204 = tpu.memref_slice %arg5[%add3A_201, %dma_start3A_203] : memref<50x128xi32, #tpu.memory_space<vmem>> -> memref<1x128xi32, #tpu.memory_space<vmem>>
        %dma_start3A_205 = tpu.memref_squeeze %dma_start3A_204 : memref<1x128xi32, #tpu.memory_space<vmem>> -> memref<128xi32, #tpu.memory_space<vmem>>
        %dma_start3A_206 = arith.constant 0 : i32
        %dma_start3A_207 = arith.constant 0 : i32
        %dma_start3A_208 = tpu.memref_slice %arg3[%dma_start3A_206, %dma_start3A_207] : memref<100000x64xf32, #tpu.memory_space<hbm>> -> memref<100000x64xf32, #tpu.memory_space<hbm>>
        %dma_start3A_209 = tpu.memref_slice %arg10[%dma_start3A_202] : memref<2x!tpu.dma_semaphore, #tpu.memory_space<semaphore_mem>> -> memref<1x!tpu.dma_semaphore, #tpu.memory_space<semaphore_mem>>
        %dma_start3A_210 = tpu.memref_squeeze %dma_start3A_209 : memref<1x!tpu.dma_semaphore, #tpu.memory_space<semaphore_mem>> -> memref<!tpu.dma_semaphore, #tpu.memory_space<semaphore_mem>>
        tpu.enqueue_indirect_dma source(%dma_start3A_208 : memref<100000x64xf32, #tpu.memory_space<hbm>>) target(%arg6 : memref<128x64xf32, #tpu.memory_space<vmem>>) offsets(%dma_start3A_205 : memref<128xi32, #tpu.memory_space<vmem>>) semaphore(%dma_start3A_210 : memref<!tpu.dma_semaphore, #tpu.memory_space<semaphore_mem>>)
      } else {
      }
      %dma_wait3A_159 = arith.constant 0 : i32
      %dma_wait3A_160 = arith.constant 1 : i32
      %dma_wait3A_161 = arith.constant 0 : i32
      %dma_wait3A_162 = tpu.memref_slice %arg5[%dma_wait3A_159, %dma_wait3A_161] : memref<50x128xi32, #tpu.memory_space<vmem>> -> memref<1x128xi32, #tpu.memory_space<vmem>>
      %dma_wait3A_163 = tpu.memref_squeeze %dma_wait3A_162 : memref<1x128xi32, #tpu.memory_space<vmem>> -> memref<128xi32, #tpu.memory_space<vmem>>
      %dma_wait3A_164 = arith.constant 0 : i32
      %dma_wait3A_165 = arith.constant 0 : i32
      %dma_wait3A_166 = tpu.memref_slice %arg3[%dma_wait3A_164, %dma_wait3A_165] : memref<100000x64xf32, #tpu.memory_space<hbm>> -> memref<100000x64xf32, #tpu.memory_space<hbm>>
      %dma_wait3A_167 = tpu.memref_slice %arg10[%dma_wait3A_160] : memref<2x!tpu.dma_semaphore, #tpu.memory_space<semaphore_mem>> -> memref<1x!tpu.dma_semaphore, #tpu.memory_space<semaphore_mem>>
      %dma_wait3A_168 = tpu.memref_squeeze %dma_wait3A_167 : memref<1x!tpu.dma_semaphore, #tpu.memory_space<semaphore_mem>> -> memref<!tpu.dma_semaphore, #tpu.memory_space<semaphore_mem>>
      tpu.wait_indirect_dma semaphore(%dma_wait3A_168 : memref<!tpu.dma_semaphore, #tpu.memory_space<semaphore_mem>>) src(%dma_wait3A_166 : memref<100000x64xf32, #tpu.memory_space<hbm>>) dst(%arg7 : memref<128x64xf32, #tpu.memory_space<vmem>>)
      %gt3A_169 = arith.constant 0 : i32
      %gt3A_170 = arith.cmpi sgt, %scan3A_104, %gt3A_169 : i32
      %convert_element_type3A_171 = arith.extui %gt3A_170 : i1 to i32
      %cond3A_172 = arith.constant 0 : i32
      %cond3A_173 = arith.cmpi ne, %convert_element_type3A_171, %cond3A_172 : i32
      scf.if %cond3A_173 {
        %dma_wait3A_200 = arith.constant 0 : i32
        %dma_wait3A_201 = arith.constant 1 : i32
        %dma_wait3A_202 = arith.constant 0 : i32
        %dma_wait3A_203 = arith.constant 0 : i32
        %dma_wait3A_204 = arith.constant 0 : i32
        %dma_wait3A_205 = tpu.memref_slice %arg9[%dma_wait3A_202, %dma_wait3A_203, %dma_wait3A_204] : memref<8x8x137xf32, #tpu.memory_space<vmem>> -> memref<8x8x128xf32, #tpu.memory_space<vmem>>
        %dma_wait3A_206 = arith.constant 0 : i32
        %dma_wait3A_207 = arith.constant 0 : i32
        %dma_wait3A_208 = arith.constant 0 : i32
        %dma_wait3A_209 = tpu.memref_slice %arg4[%dma_wait3A_200, %dma_wait3A_206, %add3A, %dma_wait3A_207, %dma_wait3A_208] : memref<50x8x32x8x128xf32, #tpu.memory_space<hbm>> -> memref<1x8x1x8x128xf32, #tpu.memory_space<hbm>>
        %dma_wait3A_210 = tpu.memref_squeeze %dma_wait3A_209 : memref<1x8x1x8x128xf32, #tpu.memory_space<hbm>> -> memref<8x8x128xf32, #tpu.memory_space<hbm>>
        %dma_wait3A_211 = tpu.memref_slice %arg11[%dma_wait3A_201] : memref<2x!tpu.dma_semaphore, #tpu.memory_space<semaphore_mem>> -> memref<1x!tpu.dma_semaphore, #tpu.memory_space<semaphore_mem>>
        %dma_wait3A_212 = tpu.memref_squeeze %dma_wait3A_211 : memref<1x!tpu.dma_semaphore, #tpu.memory_space<semaphore_mem>> -> memref<!tpu.dma_semaphore, #tpu.memory_space<semaphore_mem>>
        %dma_wait3A_213 = arith.constant 0 : i32
        %dma_wait3A_214 = arith.constant 0 : i32
        %dma_wait3A_215 = arith.constant 0 : i32
        %dma_wait3A_216 = tpu.memref_slice %arg4[%dma_wait3A_200, %dma_wait3A_213, %add3A, %dma_wait3A_214, %dma_wait3A_215] : memref<50x8x32x8x128xf32, #tpu.memory_space<hbm>> -> memref<1x8x1x8x128xf32, #tpu.memory_space<hbm>>
        %dma_wait3A_217 = tpu.memref_squeeze %dma_wait3A_216 : memref<1x8x1x8x128xf32, #tpu.memory_space<hbm>> -> memref<8x8x128xf32, #tpu.memory_space<hbm>>
        %dma_wait3A_218 = arith.constant 0 : i32
        %dma_wait3A_219 = arith.constant 0 : i32
        %dma_wait3A_220 = arith.constant 0 : i32
        %dma_wait3A_221 = tpu.memref_slice %arg9[%dma_wait3A_218, %dma_wait3A_219, %dma_wait3A_220] : memref<8x8x137xf32, #tpu.memory_space<vmem>> -> memref<8x8x128xf32, #tpu.memory_space<vmem>>
        tpu.wait_dma2 semaphore(%dma_wait3A_212 : memref<!tpu.dma_semaphore, #tpu.memory_space<semaphore_mem>>) src(%dma_wait3A_221 : memref<8x8x128xf32, #tpu.memory_space<vmem>>) dst(%dma_wait3A_217 : memref<8x8x128xf32, #tpu.memory_space<hbm>>)
      } else {
      }
      %parallel_loop3A_174 = arith.constant 0 : i32
      %parallel_loop3A_175 = arith.constant 128 : i32
      %parallel_loop3A_176 = arith.constant 1 : i32
      scf.for %parallel_loop3A_200 = %parallel_loop3A_174 to %parallel_loop3A_175 step %parallel_loop3A_176  : i32 {
        %parallel_loop3A_201 = vector.broadcast %parallel_loop3A_200 : i32 to vector<16xi32>
        %parallel_loop3A_202 = arith.index_cast %parallel_loop3A_200 : i32 to index
        %parallel_loop3A_203 = arith.constant 0 : index
        %parallel_loop3A_204 = tpu.vector_load %arg7[%parallel_loop3A_202, %parallel_loop3A_203] {strides = array<i32>} : memref<128x64xf32, #tpu.memory_space<vmem>>, vector<16xf32>,
        tpu.vector_store_idx %arg9[%shift_right_logical3A_5, %and3A_28, %parallel_loop3A_201], %parallel_loop3A_204 : memref<8x8x137xf32, #tpu.memory_space<vmem>>[vector<16xi32>, vector<16xi32>, vector<16xi32>], vector<16xf32>,
        %parallel_loop3A_205 = arith.index_cast %parallel_loop3A_200 : i32 to index
        %parallel_loop3A_206 = arith.constant 16 : index
        %parallel_loop3A_207 = tpu.vector_load %arg7[%parallel_loop3A_205, %parallel_loop3A_206] {strides = array<i32>} : memref<128x64xf32, #tpu.memory_space<vmem>>, vector<16xf32>,
        tpu.vector_store_idx %arg9[%shift_right_logical3A_11, %and3A_34, %parallel_loop3A_201], %parallel_loop3A_207 : memref<8x8x137xf32, #tpu.memory_space<vmem>>[vector<16xi32>, vector<16xi32>, vector<16xi32>], vector<16xf32>,
        %parallel_loop3A_208 = arith.index_cast %parallel_loop3A_200 : i32 to index
        %parallel_loop3A_209 = arith.constant 32 : index
        %parallel_loop3A_210 = tpu.vector_load %arg7[%parallel_loop3A_208, %parallel_loop3A_209] {strides = array<i32>} : memref<128x64xf32, #tpu.memory_space<vmem>>, vector<16xf32>,
        tpu.vector_store_idx %arg9[%shift_right_logical3A_17, %and3A_40, %parallel_loop3A_201], %parallel_loop3A_210 : memref<8x8x137xf32, #tpu.memory_space<vmem>>[vector<16xi32>, vector<16xi32>, vector<16xi32>], vector<16xf32>,
        %parallel_loop3A_211 = arith.index_cast %parallel_loop3A_200 : i32 to index
        %parallel_loop3A_212 = arith.constant 48 : index
        %parallel_loop3A_213 = tpu.vector_load %arg7[%parallel_loop3A_211, %parallel_loop3A_212] {strides = array<i32>} : memref<128x64xf32, #tpu.memory_space<vmem>>, vector<16xf32>,
        tpu.vector_store_idx %arg9[%shift_right_logical3A_23, %and3A_46, %parallel_loop3A_201], %parallel_loop3A_213 : memref<8x8x137xf32, #tpu.memory_space<vmem>>[vector<16xi32>, vector<16xi32>, vector<16xi32>], vector<16xf32>,
      } {sc.loop_unroll_factor = 8 : i64, sc.parallel_access}
      %add3A_177 = arith.constant 1 : i32
      %add3A_178 = arith.addi %mul3A_106, %add3A_177 : i32
      %dma_start3A_179 = arith.constant 1 : i32
      %dma_start3A_180 = arith.constant 0 : i32
      %dma_start3A_181 = arith.constant 0 : i32
      %dma_start3A_182 = arith.constant 0 : i32
      %dma_start3A_183 = tpu.memref_slice %arg9[%dma_start3A_180, %dma_start3A_181, %dma_start3A_182] : memref<8x8x137xf32, #tpu.memory_space<vmem>> -> memref<8x8x128xf32, #tpu.memory_space<vmem>>
      %dma_start3A_184 = arith.constant 0 : i32
      %dma_start3A_185 = arith.constant 0 : i32
      %dma_start3A_186 = arith.constant 0 : i32
      %dma_start3A_187 = tpu.memref_slice %arg4[%add3A_178, %dma_start3A_184, %add3A, %dma_start3A_185, %dma_start3A_186] : memref<50x8x32x8x128xf32, #tpu.memory_space<hbm>> -> memref<1x8x1x8x128xf32, #tpu.memory_space<hbm>>
      %dma_start3A_188 = tpu.memref_squeeze %dma_start3A_187 : memref<1x8x1x8x128xf32, #tpu.memory_space<hbm>> -> memref<8x8x128xf32, #tpu.memory_space<hbm>>
      %dma_start3A_189 = tpu.memref_slice %arg11[%dma_start3A_179] : memref<2x!tpu.dma_semaphore, #tpu.memory_space<semaphore_mem>> -> memref<1x!tpu.dma_semaphore, #tpu.memory_space<semaphore_mem>>
      %dma_start3A_190 = tpu.memref_squeeze %dma_start3A_189 : memref<1x!tpu.dma_semaphore, #tpu.memory_space<semaphore_mem>> -> memref<!tpu.dma_semaphore, #tpu.memory_space<semaphore_mem>>
      %dma_start3A_191 = arith.constant 0 : i32
      %dma_start3A_192 = arith.constant 0 : i32
      %dma_start3A_193 = arith.constant 0 : i32
      %dma_start3A_194 = tpu.memref_slice %arg4[%add3A_178, %dma_start3A_191, %add3A, %dma_start3A_192, %dma_start3A_193] : memref<50x8x32x8x128xf32, #tpu.memory_space<hbm>> -> memref<1x8x1x8x128xf32, #tpu.memory_space<hbm>>
      %dma_start3A_195 = tpu.memref_squeeze %dma_start3A_194 : memref<1x8x1x8x128xf32, #tpu.memory_space<hbm>> -> memref<8x8x128xf32, #tpu.memory_space<hbm>>
      %dma_start3A_196 = arith.constant 0 : i32
      %dma_start3A_197 = arith.constant 0 : i32
      %dma_start3A_198 = arith.constant 0 : i32
      %dma_start3A_199 = tpu.memref_slice %arg9[%dma_start3A_196, %dma_start3A_197, %dma_start3A_198] : memref<8x8x137xf32, #tpu.memory_space<vmem>> -> memref<8x8x128xf32, #tpu.memory_space<vmem>>
      tpu.enqueue_dma source(%dma_start3A_199 : memref<8x8x128xf32, #tpu.memory_space<vmem>>) target(%dma_start3A_195 : memref<8x8x128xf32, #tpu.memory_space<hbm>>) target_semaphore(%dma_start3A_190 : memref<!tpu.dma_semaphore, #tpu.memory_space<semaphore_mem>>)
    }
    %scan3A_60 = arith.constant 25 : i32
    %dma_wait3A = arith.constant 0 : i32
    %dma_wait3A_61 = arith.constant 0 : i32
    %dma_wait3A_62 = arith.constant 0 : i32
    %dma_wait3A_63 = arith.constant 0 : i32
    %dma_wait3A_64 = arith.constant 0 : i32
    %dma_wait3A_65 = tpu.memref_slice %arg8[%dma_wait3A_62, %dma_wait3A_63, %dma_wait3A_64] : memref<8x8x137xf32, #tpu.memory_space<vmem>> -> memref<8x8x128xf32, #tpu.memory_space<vmem>>
    %dma_wait3A_66 = arith.constant 0 : i32
    %dma_wait3A_67 = arith.constant 0 : i32
    %dma_wait3A_68 = arith.constant 0 : i32
    %dma_wait3A_69 = tpu.memref_slice %arg4[%dma_wait3A, %dma_wait3A_66, %add3A, %dma_wait3A_67, %dma_wait3A_68] : memref<50x8x32x8x128xf32, #tpu.memory_space<hbm>> -> memref<1x8x1x8x128xf32, #tpu.memory_space<hbm>>
    %dma_wait3A_70 = tpu.memref_squeeze %dma_wait3A_69 : memref<1x8x1x8x128xf32, #tpu.memory_space<hbm>> -> memref<8x8x128xf32, #tpu.memory_space<hbm>>
    %dma_wait3A_71 = tpu.memref_slice %arg11[%dma_wait3A_61] : memref<2x!tpu.dma_semaphore, #tpu.memory_space<semaphore_mem>> -> memref<1x!tpu.dma_semaphore, #tpu.memory_space<semaphore_mem>>
    %dma_wait3A_72 = tpu.memref_squeeze %dma_wait3A_71 : memref<1x!tpu.dma_semaphore, #tpu.memory_space<semaphore_mem>> -> memref<!tpu.dma_semaphore, #tpu.memory_space<semaphore_mem>>
    %dma_wait3A_73 = arith.constant 0 : i32
    %dma_wait3A_74 = arith.constant 0 : i32
    %dma_wait3A_75 = arith.constant 0 : i32
    %dma_wait3A_76 = tpu.memref_slice %arg4[%dma_wait3A, %dma_wait3A_73, %add3A, %dma_wait3A_74, %dma_wait3A_75] : memref<50x8x32x8x128xf32, #tpu.memory_space<hbm>> -> memref<1x8x1x8x128xf32, #tpu.memory_space<hbm>>
    %dma_wait3A_77 = tpu.memref_squeeze %dma_wait3A_76 : memref<1x8x1x8x128xf32, #tpu.memory_space<hbm>> -> memref<8x8x128xf32, #tpu.memory_space<hbm>>
    %dma_wait3A_78 = arith.constant 0 : i32
    %dma_wait3A_79 = arith.constant 0 : i32
    %dma_wait3A_80 = arith.constant 0 : i32
    %dma_wait3A_81 = tpu.memref_slice %arg8[%dma_wait3A_78, %dma_wait3A_79, %dma_wait3A_80] : memref<8x8x137xf32, #tpu.memory_space<vmem>> -> memref<8x8x128xf32, #tpu.memory_space<vmem>>
    tpu.wait_dma2 semaphore(%dma_wait3A_72 : memref<!tpu.dma_semaphore, #tpu.memory_space<semaphore_mem>>) src(%dma_wait3A_81 : memref<8x8x128xf32, #tpu.memory_space<vmem>>) dst(%dma_wait3A_77 : memref<8x8x128xf32, #tpu.memory_space<hbm>>)
    %dma_wait3A_82 = arith.constant 0 : i32
    %dma_wait3A_83 = arith.constant 1 : i32
    %dma_wait3A_84 = arith.constant 0 : i32
    %dma_wait3A_85 = arith.constant 0 : i32
    %dma_wait3A_86 = arith.constant 0 : i32
    %dma_wait3A_87 = tpu.memref_slice %arg9[%dma_wait3A_84, %dma_wait3A_85, %dma_wait3A_86] : memref<8x8x137xf32, #tpu.memory_space<vmem>> -> memref<8x8x128xf32, #tpu.memory_space<vmem>>
    %dma_wait3A_88 = arith.constant 0 : i32
    %dma_wait3A_89 = arith.constant 0 : i32
    %dma_wait3A_90 = arith.constant 0 : i32
    %dma_wait3A_91 = tpu.memref_slice %arg4[%dma_wait3A_82, %dma_wait3A_88, %add3A, %dma_wait3A_89, %dma_wait3A_90] : memref<50x8x32x8x128xf32, #tpu.memory_space<hbm>> -> memref<1x8x1x8x128xf32, #tpu.memory_space<hbm>>
    %dma_wait3A_92 = tpu.memref_squeeze %dma_wait3A_91 : memref<1x8x1x8x128xf32, #tpu.memory_space<hbm>> -> memref<8x8x128xf32, #tpu.memory_space<hbm>>
    %dma_wait3A_93 = tpu.memref_slice %arg11[%dma_wait3A_83] : memref<2x!tpu.dma_semaphore, #tpu.memory_space<semaphore_mem>> -> memref<1x!tpu.dma_semaphore, #tpu.memory_space<semaphore_mem>>
    %dma_wait3A_94 = tpu.memref_squeeze %dma_wait3A_93 : memref<1x!tpu.dma_semaphore, #tpu.memory_space<semaphore_mem>> -> memref<!tpu.dma_semaphore, #tpu.memory_space<semaphore_mem>>
    %dma_wait3A_95 = arith.constant 0 : i32
    %dma_wait3A_96 = arith.constant 0 : i32
    %dma_wait3A_97 = arith.constant 0 : i32
    %dma_wait3A_98 = tpu.memref_slice %arg4[%dma_wait3A_82, %dma_wait3A_95, %add3A, %dma_wait3A_96, %dma_wait3A_97] : memref<50x8x32x8x128xf32, #tpu.memory_space<hbm>> -> memref<1x8x1x8x128xf32, #tpu.memory_space<hbm>>
    %dma_wait3A_99 = tpu.memref_squeeze %dma_wait3A_98 : memref<1x8x1x8x128xf32, #tpu.memory_space<hbm>> -> memref<8x8x128xf32, #tpu.memory_space<hbm>>
    %dma_wait3A_100 = arith.constant 0 : i32
    %dma_wait3A_101 = arith.constant 0 : i32
    %dma_wait3A_102 = arith.constant 0 : i32
    %dma_wait3A_103 = tpu.memref_slice %arg9[%dma_wait3A_100, %dma_wait3A_101, %dma_wait3A_102] : memref<8x8x137xf32, #tpu.memory_space<vmem>> -> memref<8x8x128xf32, #tpu.memory_space<vmem>>
    tpu.wait_dma2 semaphore(%dma_wait3A_94 : memref<!tpu.dma_semaphore, #tpu.memory_space<semaphore_mem>>) src(%dma_wait3A_103 : memref<8x8x128xf32, #tpu.memory_space<vmem>>) dst(%dma_wait3A_99 : memref<8x8x128xf32, #tpu.memory_space<hbm>>)
    return
  }
}

</mosaic_0001>

<sc_bundles>
// kernel: kernel.3.cloned.1.call-start
scs
__scs_entry_jumppad:
0x0: {  	(pc) =	sbr.rel $0x88, $3  }
0x1: {  	(tag) =	ssettag $0x0;
	lr =	simm.s32 $0x1  }
0x2: {  	[smem:$0x3F9F] =	sst lr;
	_ =	strace $0xD0000000  }
0x3: {  	_ = 	snop  }
0x4: {  	_ = 	snop  }
0x5: {  	_ = 	snop  }
0x6: {  	_ = 	snop  }
0x7: {  	_ = 	snop  }
__scs_overlays_trampoline_lowered:
0x8: {  	[smem:$0x3FAE] =	sst s0  }
0x9: {  	[smem:$0x3FAF] =	sst s1  }
0xa: {  	[smem:$0x3FB0] =	sst s2  }
0xb: {  	[smem:$0x3FB1] =	sst s3  }
0xc: {  	[smem:$0x3FB2] =	sst s4  }
0xd: {  	[smem:$0x3FB3] =	sst s5  }
0xe: {  	[smem:$0x3FB4] =	sst s6  }
0xf: {  	[smem:$0x3FB5] =	sst s7  }
0x10: {  	[smem:$0x3FB6] =	sst s8  }
0x11: {  	[smem:$0x3FB7] =	sst s9;
	s0 =	simm.s32 @!p0 $0x0  }
0x12: {  	s1 =	sld [smem:$0x3F9D];
	s0 =	simm.s32 @p0 $0x1  }
0x13: {  	[smem:$0x3FB8] =	sst s0;
	s0 =	simm.s32 @!p1 $0x0  }
0x14: {  	s2 =	sld [smem:$0x3F9C];
	s0 =	simm.s32 @p1 $0x1  }
0x15: {  	[smem:$0x3FB9] =	sst s0;
	s0 =	simm.s32 @!p2 $0x0  }
0x16: {  	s3 =	sld [smem:$0x3FDB];
	s0 =	simm.s32 @p2 $0x1  }
0x17: {  	s4 =	simm.s32 $0x1BF5;
	[smem:$0x3FBB] =	sst s0  }
0x18: {  	s0 =	sld [smem:$0x3F9E];
	_ =	swait.ge [sflag:s4], $0x0  }
0x19: {  	s7 =	sld [smem:$0x3F9F]  }
0x1a: {  	s8 =	sadd.s32 $0xFFFFE003, lr  }
0x1b: {  	s9 =	sadd.s32 $0xFFFFFEF7, lr;
	s5 =	simm.s32 $0xFFFFFFFF;
	p2 =	slt.u32 s8, $0xFFFFF086  }
0x1c: {  	p1 =	slt.u32 s9, $0xF7A;
	s5 =	simm.s32 @!p2 $0x0  }
0x1d: {  	s5 =	simm.s32 @p1 $0x1;
	p0 =	seq.s32 s7, s2  }
0x1e: {  	s7 =	smul.u32 @!p0 $0xF7A, s2;
	p2 =	seq.s32 @!p0 s5, $0x0  }
0x1f: {  	s9 =	smul.u32 $0xF7A, s1;
	s8 =	simm.s32 @!p0 $0x1BF5;
	p2 =	por !p2, p0  }
0x20: {  	[sflag:s8] =	ssyncset.s32 @!p0 $0xFFFFF086;
	s6 =	sadd.s32 @!p0 s3, s7;
	s7 =	simm.s32 @!p0 $0x108  }
0x21: {  	s3 =	sadd.s32 s3, s9;
	s6 =	sadd.s32 @!p0 $0x88, s6;
	s7 =	simm.s32 @p2 $0x1082  }
0x22: {  	[simem:s7], [sflag:s8] =	dma.local @!p0 [hbm:s6], $0xF7A  }
0x23: {  	s9 =	sor.u32 $0xD0000000, s2;
	s6 =	simm.s32 $0x108;
	_ =	swait.ge @!p0 [sflag:s8], $0x0  }
0x24: {  	s3 =	sadd.s32 $0x88, s3;
	s6 =	simm.s32 @!p1 $0x1082;
	[sflag:s4] =	ssyncset.s32 $0xFFFFF086  }
0x25: {  	[simem:s6], [sflag:s4] =	dma.local [hbm:s3], $0xF7A  }
0x26: {  	[smem:$0x3F9F] =	sst s1;
	(tag) =	ssettag s2;
	_ =	strace s9  }
0x27: {  	s1 =	sld [smem:$0x3FAF]  }
0x28: {  	s2 =	sld [smem:$0x3FB0]  }
0x29: {  	s4 =	sld [smem:$0x3FB2]  }
0x2a: {  	p0 =	seq.s32 s5, $0x0;
	s5 =	sld [smem:$0x3FB3]  }
0x2b: {  	s6 =	sld [smem:$0x3FB4]  }
0x2c: {  	s7 =	sld [smem:$0x3FB5]  }
0x2d: {  	s3 =	simm.s32 $0x108;
	s8 =	sld [smem:$0x3FB6]  }
0x2e: {  	s3 =	simm.s32 @!p0 $0x1082;
	s9 =	sld [smem:$0x3FB7]  }
0x2f: {  	lr =	sadd.s32 s0, s3;
	s0 =	sld [smem:$0x3FAE]  }
0x30: {  	s3 =	sld [smem:$0x3FB1]  }
0x31: {  	[smem:$0x3FBA] =	sst s10  }
0x32: {  	s10 =	sld [smem:$0x3FB8];
	_ =	sdelay $0x3  }
0x33: {  	p0 =	seq.s32 s10, $0x1;
	s10 =	sld [smem:$0x3FBA];
	_ =	sdelay $0x3  }
0x34: {  	[smem:$0x3FBA] =	sst s10  }
0x35: {  	s10 =	sld [smem:$0x3FB9];
	_ =	sdelay $0x3  }
0x36: {  	p1 =	seq.s32 s10, $0x1;
	s10 =	sld [smem:$0x3FBA];
	_ =	sdelay $0x3  }
0x37: {  	[smem:$0x3FBA] =	sst s10  }
0x38: {  	s10 =	sld [smem:$0x3FBB]  }
0x39: {  	_ = 	snop;
	(pc) =	sbr.ind lr, $3  }
0x3a: {  	_ = 	snop  }
0x3b: {  	_ = 	snop  }
0x3c: {  	p2 =	seq.s32 s10, $0x1;
	s10 =	sld [smem:$0x3FBA]  }
0x3d: {  	_ =	shalt  }
0x3e: {  	_ =	shalt  }
0x3f: {  	_ =	shalt  }
0x40: {  	_ =	shalt  }
0x41: {  	_ =	shalt  }
0x42: {  	_ =	shalt  }
0x43: {  	_ =	shalt  }
0x44: {  	_ =	shalt  }
0x45: {  	_ =	shalt  }
0x46: {  	_ =	shalt  }
0x47: {  	_ =	shalt  }
0x48: {  	_ =	shalt  }
0x49: {  	_ =	shalt  }
0x4a: {  	_ =	shalt  }
0x4b: {  	_ =	shalt  }
0x4c: {  	_ =	shalt  }
0x4d: {  	_ =	shalt  }
0x4e: {  	_ =	shalt  }
0x4f: {  	_ =	shalt  }
0x50: {  	_ =	shalt  }
0x51: {  	_ =	shalt  }
0x52: {  	_ =	shalt  }
0x53: {  	_ =	shalt  }
0x54: {  	_ =	shalt  }
0x55: {  	_ =	shalt  }
0x56: {  	_ =	shalt  }
0x57: {  	_ =	shalt  }
0x58: {  	_ =	shalt  }
0x59: {  	_ =	shalt  }
0x5a: {  	_ =	shalt  }
0x5b: {  	_ =	shalt  }
0x5c: {  	_ =	shalt  }
0x5d: {  	_ =	shalt  }
0x5e: {  	_ =	shalt  }
0x5f: {  	_ =	shalt  }
0x60: {  	_ =	shalt  }
0x61: {  	_ =	shalt  }
0x62: {  	_ =	shalt  }
0x63: {  	_ =	shalt  }
0x64: {  	_ =	shalt  }
0x65: {  	_ =	shalt  }
0x66: {  	_ =	shalt  }
0x67: {  	_ =	shalt  }
0x68: {  	_ =	shalt  }
0x69: {  	_ =	shalt  }
0x6a: {  	_ =	shalt  }
0x6b: {  	_ =	shalt  }
0x6c: {  	_ =	shalt  }
0x6d: {  	_ =	shalt  }
0x6e: {  	_ =	shalt  }
0x6f: {  	_ =	shalt  }
0x70: {  	_ =	shalt  }
0x71: {  	_ =	shalt  }
0x72: {  	_ =	shalt  }
0x73: {  	_ =	shalt  }
0x74: {  	_ =	shalt  }
0x75: {  	_ =	shalt  }
0x76: {  	_ =	shalt  }
0x77: {  	_ =	shalt  }
0x78: {  	_ =	shalt  }
0x79: {  	_ =	shalt  }
0x7a: {  	_ =	shalt  }
0x7b: {  	_ =	shalt  }
0x7c: {  	_ =	shalt  }
0x7d: {  	_ =	shalt  }
0x7e: {  	_ =	shalt  }
0x7f: {  	_ =	shalt  }
0x80: {  	_ =	shalt  }
0x81: {  	_ =	shalt  }
0x82: {  	_ =	shalt  }
0x83: {  	_ =	shalt  }
0x84: {  	_ =	shalt  }
0x85: {  	_ =	shalt  }
0x86: {  	_ =	shalt  }
0x87: {  	_ =	shalt  }
.Lfunc_end0:
.L_simem_size_0:
called_computation_lowered:
.L_overlay_start_0:
0x88: {  	s2 =	sld [smem:$0x3FD9]  }
0x89: {  	s3 =	sld [smem:$0x3FFE];
	_ =	sdelay $0x1  }
0x8a: {  	s1 =	srdreg.scid  }
0x8b: {  	s0 =	sand.u32 $0x1, s1  }
0x8c: {  	s17 =	sshll.u32 s0, $0xA;
	s2 =	sadd.s32 s3, s2  }
0x8d: {  	s2 =	sadd.s32 s2, s17  }
0x8e: {  	[smem:$0x3FC6] =	sst s2  }
0x8f: {  	_ = 	snop  }
0x90: {  	s2 =	sld [smem:$0x3FD0];
	(tm) =	ssettm $0x1  }
0x91: {  	s18 =	sld [smem:$0x3FFB];
	_ =	sdelay $0x3  }
0x92: {  	_ =	strace s18  }
0x93: {  	s3 =	sld [smem:$0x3FFC];
	_ =	sdelay $0x3  }
0x94: {  	_ =	strace s3  }
0x95: {  	s3 =	sld [smem:$0x3FFD];
	_ =	sdelay $0x3  }
0x96: {  	_ =	strace s3  }
0x97: {  	_ =	strace $0x8FFFFFFF  }
0x98: {  	s19 =	sld [smem:$0x3FDB];
	_ =	sdelay $0x1  }
0x99: {  	s4 =	simm.s32 $_scs_section_size  }
0x9a: {  	s5 =	simm.s32 $_size__tile_overlayer_lowered;
	s6 =	simm.s32 $_tile_overlayer_lowered  }
0x9b: {  	s22 =	simm.s32 $0x1BFF;
	s21 =	sshll.u32 s6, $0x1;
	s3 =	sadd.s32 s4, s19  }
0x9c: {  	s7 =	simm.s32 $0x0;
	s20 =	sshll.u32 s5, $0x1;
	s5 =	sadd.s32 s21, s3  }
0x9d: {  	[timem:s7], [sflag:s22] =	dma.local [hbm:s5], s20  }
0x9e: {  	_ =	swait.ge [sflag:s22], s20  }
0x9f: {  	s4 =	ssub.s32 $0x0, s20;
	[sflag:s22] =	ssyncset.done $0x0  }
0xa0: {  	[sflag:s22] =	ssyncadd.s32 s4;
	_ =	sdelay $0x1  }
0xa1: {  	s23 =	simm.s32 $0x1B8B  }
0xa2: {  	_ =	swait.ge [sflag:s23], $0x1  }
0xa3: {  	[sflag:s23] =	ssyncset.done $0x0  }
0xa4: {  	s25 =	simm.s32 $0x1B8E;
	s24 =	sld [smem:$0x3FFE];
	[sflag:s23] =	ssyncadd.s32 $0xFFFFFFFF  }
0xa5: {  	s26 =	simm.s32 $execute0_lowered;
	[smem:$0x3FD2] =	sst s25  }
0xa6: {  	s5 =	sshll.u32 s26, $0x1;
	_ =	strace $0x80000046;
	[dreg:$0x1] =	wrdreg $0xFFFFFFFF  }
0xa7: {  	s28 =	simm.s32 $_size_execute0_lowered;
	s3 =	sadd.s32 s3, s5;
	[dreg:$0x0] =	wrdreg $0x0  }
0xa8: {  	s5 =	sshll.u32 s28, $0x1;
	[dreg:$0x2] =	wrdreg s3  }
0xa9: {  	[dreg:$0x3] =	wrdreg s5  }
0xaa: {  	[dreg:$0x4] =	wrdreg $0xC0  }
0xab: {  	_ =	task [dreg:s7], $0x5FFFF  }
0xac: {  	[dreg:$0x1] =	wrdreg $0xFFFFFFFF  }
0xad: {  	[dreg:$0x0] =	wrdreg $0x60  }
0xae: {  	[dreg:$0x2] =	wrdreg s24  }
0xaf: {  	[dreg:$0x3] =	wrdreg s2  }
0xb0: {  	[dreg:$0x4] =	wrdreg $0x9  }
0xb1: {  	_ =	task.clear_ibuf [dreg:s7], $0x5FFFF;
	_ =	strace $0x90000046  }
0xb2: {  	s29 =	simm.s32 $0x9;
	_ =	strace $0x80000048  }
0xb3: {  	_ =	swait.ge [sflag:s29], $0x1  }
0xb4: {  	[sflag:s29] =	ssyncadd.s32 $0xFFFFFFFF  }
0xb5: {  	_ =	strace $0x90000048  }
0xb6: {  	_ =	sfence  }
0xb7: {  	s30 =	sld [smem:$0x0];
	_ =	sdelay $0x2  }
0xb8: {  	s31 =	sshll.u32 s1, $0xD;
	s1 =	sshrl.u32 s1, $0x2  }
0xb9: {  	s3 =	sand.u32 $0x4000, s31;
	s1 =	sadd.s32 s1, s30  }
0xba: {  	s0 =	sor.u32 s3, s0;
	s1 =	sshll.u32 s1, $0x11  }
0xbb: {  	s0 =	sor.u32 s1, s0  }
0xbc: {  	s0 =	sadd.s32 $0x8F2B, s0  }
0xbd: {  	[sflag:s0] =	ssyncadd.remote.s32 $0x1  }
0xbe: {  	_ =	sfence.sel $0xFFFF  }
0xbf: {  	[dreg:$0x0] =	wrdreg $0xFFFFFFFF;
	(pc) =	sbr.abs _section_cstart, $3  }
0xc0: {  	[dreg:$0x1] =	wrdreg $0xFFFFFFFF  }
0xc1: {  	_ =	task.clear_ibuf [dreg:s7], $0x2FFFF;
	_ =	strace $0x9FFFFFFF  }
0xc2: {  	(tm) =	ssettm $0x7FFFFFFF  }
0xc3: {  	_ =	shalt  }
tec
execute0_lowered:
.L_overlay_start_1:
0x0: {  	(tag) =	ssettag $0x1  }
0x1: {  	v0 =	vlaneseq.u32  }
0x2: {  	v0 =	vmul.u32 $0x90, v0  }
0x3: {  	v1 =	vimm.s32 $0x0;
	vm0 =	vcmask $0x300  }
0x4: {  	s4 =	rddreg [dreg:$0x0];
	s1 =	srdreg.scid;
	v1 =	vsel vm0, $0x3, v1;
	v2 =	vadd.s32 $0x900, v0  }
0x5: {  	s0 =	stileid.u32;
	s2 =	rddreg [dreg:$0x1];
	v3 =	vadd.s32 $0x1200, v0;
	v4 =	vadd.s32 $0x1B00, v0;
	v5 =	vor.u32 $0x1, v0  }
0x6: {  	s3 =	simm.s32 $0x0;
	s9 =	simm.s32 $0x80;
	s10 =	simm.s32 $0x1900;
	v6 =	vadd.s32 $0x901, v0;
	v7 =	vadd.s32 $0x1201, v0;
	v8 =	vadd.s32 $0x1B01, v0  }
0x7: {  	s11 =	simm.s32 $0x3900;
	s12 =	simm.s32 $0x1;
	s13 =	simm.s32 $0x5900;
	v9 =	vor.u32 $0x2, v0;
	v10 =	vadd.s32 $0x902, v0;
	v11 =	vadd.s32 $0x1202, v0  }
0x8: {  	s14 =	simm.s32 $0x2;
	s15 =	simm.s32 $0x4;
	s16 =	simm.s32 $0x7D00;
	v12 =	vadd.s32 $0x1B02, v0;
	v13 =	vor.u32 $0x3, v0;
	v14 =	vadd.s32 $0x903, v0  }
0x9: {  	s17 =	simm.s32 $0x3;
	s5 =	sand.u32 $0x1, s1;
	s6 =	sshll.u32 s0, $0x1;
	v15 =	vadd.s32 $0x1203, v0;
	v16 =	vadd.s32 $0x1B03, v0;
	v17 =	vor.u32 $0x4, v0  }
0xa: {  	s18 =	simm.s32 $0x0;
	s1 =	rddreg [dreg:$0x2];
	s6 =	sor.u32 s5, s6;
	v18 =	vadd.s32 $0x904, v0;
	v19 =	vadd.s32 $0x1204, v0;
	v20 =	vadd.s32 $0x1B04, v0  }
0xb: {  	[smem:$0x7FF] =	sst s3;
	s5 =	ssub.s32 $0x2, s5;
	s7 =	smul.u32 $0x320, s6;
	v21 =	vor.u32 $0x5, v0;
	v22 =	vadd.s32 $0x905, v0;
	v23 =	vadd.s32 $0x1205, v0  }
0xc: {  	_ =	strace $0x80000047;
	s8 =	sshrl.u32 s5, $0x1;
	s6 =	sshll.u32 s6, $0xA;
	v24 =	vadd.s32 $0x1B05, v0;
	v25 =	vor.u32 $0x6, v0;
	v26 =	vadd.s32 $0x906, v0  }
0xd: {  	v27 =	vadd.s32 $0x1206, v0;
	v28 =	vadd.s32 $0x1B06, v0;
	v29 =	vor.u32 $0x7, v0;
	s8 =	ssub.s32 s5, s8;
	s7 =	sadd.s32 s7, s4;
	s4 =	sadd.s32 $0x6800, s4  }
0xe: {  	v30 =	vadd.s32 $0x907, v0;
	v31 =	vadd.s32 $0x1207, v0;
	v32 =	vadd.s32 $0x1B07, v0;
	s5 =	sadd.s32 $0x400, s7;
	s7 =	smax.u32 s8, $0x1;
	s8 =	simm.s32 $0x5  }
.LBB2_1:
0xf: {  	[tilespmem:s3], [sflag:$0x5] =	stream.linear.gather [hbm4b:s5+s3], $0x1900, $0x38;
	[tilespmem:$0xA100] =	vst v63  }
0x10: {  	_ =	swait.ge [sflag:s8], $0x1900  }
0x11: {  	[sflag:s8] =	ssyncset.done $0x0  }
0x12: {  	s19 =	simm.s32 $0x0;
	[sflag:s8] =	ssyncadd.s32 $0xFFFFE700  }
0x13: {  	[tilespmem:s10], [sflag:$0x1] =	stream.indirect.gather [hbm4b:s4+s9], $0x40, s3, s9, $0xb8;
	[tilespmem:$0xA100] =	vst v63  }
.LBB2_2:
0x14: {  	s20 =	sshllo.u32 s19, $0x1;
	s26 =	simm.s32 $0x0;
	s28 =	simm.s32 $0x1  }
0x15: {  	s22 =	simm.s32 $0x2;
	s29 =	simm.s32 $0x3;
	s21 =	sshll.u32 s20, $0x7  }
0x16: {  	s30 =	simm.s32 $0x4;
	s23 =	simm.s32 $0x7;
	v33 =	vmov s26;
	s21 =	sand.u32 $0x3FFFFF80, s21  }
0x17: {  	v34 =	vmov s28;
	v35 =	vmov s22;
	[tilespmem:s11], [sflag:$0x2] =	stream.indirect.gather [hbm4b:s4+s9], $0x40, s21, s9, $0xb8;
	[tilespmem:$0xA100] =	vst v63  }
0x18: {  	s31 =	simm.s32 $0x5;
	v36 =	vmov s29;
	v37 =	vmov s30;
	v38 =	vmov s23;
	_ =	swait.ge [sflag:s12], $0x2000  }
0x19: {  	p0 =	seq.s32 s19, $0x0;
	v39 =	vmov s31;
	s23 =	simm.s32 $0x6;
	v33 =	vshrl.u32 v33, $0x3;
	v38 =	vshrl.u32 v38, $0x3;
	[sflag:s12] =	ssyncset.done $0x0  }
0x1a: {  	s22 =	simm.s32 @!p0 $0x3;
	v40 =	vmov s23;
	v34 =	vshrl.u32 v34, $0x3;
	v35 =	vshrl.u32 v35, $0x3;
	[sflag:s12] =	ssyncadd.s32 $0xFFFFE000  }
0x1b: {  	v36 =	vshrl.u32 v36, $0x3;
	v37 =	vshrl.u32 v37, $0x3;
	v38 =	vshll.u32 v38, v1;
	_ =	swait.ge @!p0 [sflag:s22], $0x2000  }
0x1c: {  	v55 =	vshrl.u32 v39, $0x3;
	v33 =	vshll.u32 v33, v1;
	v38 =	vbroadcast v38, $0x0;
	[sflag:s22] =	ssyncset.done @!p0 $0x0  }
0x1d: {  	s21 =	simm.s32 $0x1A00;
	v34 =	vshll.u32 v34, v1;
	v52 =	vshll.u32 v35, v1;
	v33 =	vbroadcast v33, $0x0;
	[sflag:s22] =	ssyncadd.s32 @!p0 $0xFFFFE000  }
0x1e: {  	v53 =	vshll.u32 v36, v1;
	v45 =	vbroadcast v34, $0x0;
	v42 =	vadd.s32 v29, v38;
	v41 =	vld [tilespmem:s21+$0xC0]  }
0x1f: {  	v54 =	vshll.u32 v37, v1;
	v52 =	vbroadcast v52, $0x0;
	v44 =	vadd.s32 v0, v33;
	v43 =	vld [tilespmem:s21+$0xFFFFFF00]  }
0x20: {  	v36 =	vshll.u32 v55, v1;
	v35 =	vbroadcast v53, $0x0;
	v47 =	vadd.s32 v5, v45;
	v46 =	vld [tilespmem:s21+$0xFFFFFF40]  }
0x21: {  	v40 =	vshrl.u32 v40, $0x3;
	v34 =	vbroadcast v54, $0x0;
	v49 =	vadd.s32 v9, v52;
	v48 =	vld [tilespmem:s21+$0xFFFFFF80]  }
0x22: {  	v37 =	vbroadcast v36, $0x0;
	v56 =	vshll.u32 v40, v1;
	v50 =	vadd.s32 v13, v35;
	v39 =	vld [tilespmem:s21+$0xFFFFFFC0]  }
0x23: {  	v36 =	vbroadcast v56, $0x0;
	v53 =	vadd.s32 v17, v34;
	v51 =	vld [tilespmem:s21+$0x0];
	[tilespmem:v42+s13+$0x0] =	vst.idx.msk $0xffff, v41  }
0x24: {  	v60 =	vadd.s32 v21, v37;
	v59 =	vld [tilespmem:s21+$0x40];
	[tilespmem:v44+s13+$0x0] =	vst.idx.msk $0xffff, v43  }
0x25: {  	v62 =	vadd.s32 v25, v36;
	v61 =	vld [tilespmem:s21+$0x80];
	[tilespmem:v47+s13+$0x0] =	vst.idx.msk $0xffff, v46  }
0x26: {  	v58 =	vadd.s32 v30, v38;
	[tilespmem:v49+s13+$0x0] =	vst.idx.msk $0xffff, v48;
	v57 =	vld [tilespmem:s21+$0xD0]  }
0x27: {  	v63 =	vadd.s32 v6, v45;
	[tilespmem:v50+s13+$0x0] =	vst.idx.msk $0xffff, v39;
	v47 =	vld [tilespmem:s21+$0xFFFFFF50]  }
0x28: {  	v55 =	vadd.s32 v10, v52;
	[tilespmem:v53+s13+$0x0] =	vst.idx.msk $0xffff, v51;
	v54 =	vld [tilespmem:s21+$0xFFFFFF90]  }
0x29: {  	v56 =	vadd.s32 v14, v35;
	[tilespmem:v60+s13+$0x0] =	vst.idx.msk $0xffff, v59;
	v50 =	vld [tilespmem:s21+$0xFFFFFFD0]  }
0x2a: {  	[tilespmem:v62+s13+$0x0] =	vst.idx.msk $0xffff, v61;
	v46 =	vadd.s32 v22, v37;
	v44 =	vld [tilespmem:s21+$0x50]  }
0x2b: {  	v59 =	vadd.s32 v18, v34;
	[tilespmem:v58+s13+$0x0] =	vst.idx.msk $0xffff, v57;
	v58 =	vld [tilespmem:s21+$0x10]  }
0x2c: {  	v57 =	vadd.s32 v31, v38;
	[tilespmem:v63+s13+$0x0] =	vst.idx.msk $0xffff, v47;
	v40 =	vld [tilespmem:s21+$0xE0]  }
0x2d: {  	v60 =	vadd.s32 v26, v36;
	[tilespmem:v55+s13+$0x0] =	vst.idx.msk $0xffff, v54;
	v63 =	vld [tilespmem:s21+$0x90]  }
0x2e: {  	v62 =	vadd.s32 v2, v33;
	v61 =	vld [tilespmem:s21+$0xFFFFFF10];
	[tilespmem:v56+s13+$0x0] =	vst.idx.msk $0xffff, v50  }
0x2f: {  	v51 =	vadd.s32 v7, v45;
	[tilespmem:v46+s13+$0x0] =	vst.idx.msk $0xffff, v44;
	v50 =	vld [tilespmem:s21+$0xFFFFFF60]  }
0x30: {  	v56 =	vadd.s32 v11, v52;
	v55 =	vld [tilespmem:s21+$0xFFFFFFA0];
	[tilespmem:v59+s13+$0x0] =	vst.idx.msk $0xffff, v58  }
0x31: {  	v58 =	vadd.s32 v15, v35;
	[tilespmem:v57+s13+$0x0] =	vst.idx.msk $0xffff, v40;
	v57 =	vld [tilespmem:s21+$0xFFFFFFE0]  }
0x32: {  	[tilespmem:v60+s13+$0x0] =	vst.idx.msk $0xffff, v63;
	v60 =	vadd.s32 v19, v34;
	v59 =	vld [tilespmem:s21+$0x20]  }
0x33: {  	s25 =	simm.s32 $0x9;
	v38 =	vadd.s32 v32, v38;
	[tilespmem:v62+s13+$0x0] =	vst.idx.msk $0xffff, v61;
	v54 =	vld [tilespmem:s21+$0xF0]  }
0x34: {  	s24 =	simm.s32 $0x8;
	v41 =	vadd.s32 v23, v37;
	v53 =	vmov s25;
	[tilespmem:v51+s13+$0x0] =	vst.idx.msk $0xffff, v50;
	v40 =	vld [tilespmem:s21+$0x60]  }
0x35: {  	s28 =	simm.s32 $0xB;
	s29 =	simm.s32 $0xC;
	v43 =	vadd.s32 v27, v36;
	v48 =	vadd.s32 v3, v33;
	v63 =	vmov s24;
	v42 =	vld [tilespmem:s21+$0xA0];
	[tilespmem:v56+s13+$0x0] =	vst.idx.msk $0xffff, v55  }
0x36: {  	s31 =	simm.s32 $0xE;
	v44 =	vmov s28;
	v47 =	vmov s29;
	v46 =	vld [tilespmem:s21+$0xFFFFFF20];
	v39 =	vshrl.u32 v63, $0x3;
	[tilespmem:v58+s13+$0x0] =	vst.idx.msk $0xffff, v57  }
0x37: {  	s26 =	simm.s32 $0xA;
	s30 =	simm.s32 $0xD;
	v51 =	vadd.s32 v8, v45;
	v49 =	vld [tilespmem:s21+$0xFFFFFF70];
	v45 =	vshll.u32 v39, v1;
	v39 =	vmov s31;
	[tilespmem:v60+s13+$0x0] =	vst.idx.msk $0xffff, v59  }
0x38: {  	s23 =	simm.s32 $0xF;
	s22 =	simm.s32 $0x10;
	v52 =	vadd.s32 v12, v52;
	v50 =	vld [tilespmem:s21+$0xFFFFFFB0];
	[tilespmem:v38+s13+$0x0] =	vst.idx.msk $0xffff, v54;
	v54 =	vmov s26;
	v38 =	vmov s30  }
.LBB2_3:
0x39: {  	p1 =	slt.u32 s22, $0x78;
	v53 =	vshrl.u32 v53, $0x3;
	v55 =	vmov s23;
	v56 =	vld [tilespmem:s21+$0xFFFFFFF0];
	v35 =	vadd.s32 v16, v35;
	[tilespmem:v41+s13+$0x0] =	vst.idx.msk $0xffff, v40  }
0x3a: {  	v40 =	vshrl.u32 v54, $0x3;
	v34 =	vadd.s32 v20, v34;
	v41 =	vshrl.u32 v55, $0x3;
	v54 =	vld [tilespmem:s21+$0x30];
	[tilespmem:v43+s13+$0x0] =	vst.idx.msk $0xffff, v42  }
0x3b: {  	v37 =	vadd.s32 v24, v37;
	v42 =	vshrl.u32 v44, $0x3;
	v41 =	vshll.u32 v41, v1;
	[tilespmem:v48+s13+$0x0] =	vst.idx.msk $0xffff, v46;
	v43 =	vld [tilespmem:s21+$0x70]  }
0x3c: {  	v36 =	vadd.s32 v28, v36;
	v44 =	vshrl.u32 v47, $0x3;
	v41 =	vbroadcast v41, $0x0;
	[tilespmem:v51+s13+$0x0] =	vst.idx.msk $0xffff, v49;
	v46 =	vld [tilespmem:s21+$0xB0]  }
0x3d: {  	v47 =	vshll.u32 v53, v1;
	v49 =	vadd.s32 v4, v33;
	v33 =	vbroadcast v45, $0x0;
	v48 =	vld [tilespmem:s21+$0xFFFFFF30];
	[tilespmem:v52+s13+$0x0] =	vst.idx.msk $0xffff, v50;
	s21 =	sadd.s32 $0x200, s21  }
0x3e: {  	v40 =	vshll.u32 v40, v1;
	v45 =	vbroadcast v47, $0x0;
	v47 =	vld [tilespmem:s21+$0xC0];
	v50 =	vadd.s32 v29, v41;
	[tilespmem:v35+s13+$0x0] =	vst.idx.msk $0xffff, v56  }
0x3f: {  	v55 =	vbroadcast v40, $0x0;
	v52 =	vadd.s32 v0, v33;
	v35 =	vshll.u32 v42, v1;
	v51 =	vld [tilespmem:s21+$0xFFFFFF00];
	[tilespmem:v34+s13+$0x0] =	vst.idx.msk $0xffff, v54  }
0x40: {  	v42 =	vadd.s32 v5, v45;
	v35 =	vbroadcast v35, $0x0;
	v34 =	vshll.u32 v44, v1;
	v40 =	vld [tilespmem:s21+$0xFFFFFF40];
	[tilespmem:v37+s13+$0x0] =	vst.idx.msk $0xffff, v43  }
0x41: {  	v44 =	vadd.s32 v9, v55;
	v34 =	vbroadcast v34, $0x0;
	v37 =	vshrl.u32 v38, $0x3;
	v43 =	vld [tilespmem:s21+$0xFFFFFF80];
	[tilespmem:v36+s13+$0x0] =	vst.idx.msk $0xffff, v46  }
0x42: {  	v39 =	vshrl.u32 v39, $0x3;
	v46 =	vadd.s32 v13, v35;
	v36 =	vshll.u32 v37, v1;
	v38 =	vld [tilespmem:s21+$0xFFFFFFC0];
	[tilespmem:v49+s13+$0x0] =	vst.idx.msk $0xffff, v48  }
0x43: {  	v49 =	vadd.s32 v17, v34;
	v37 =	vbroadcast v36, $0x0;
	v36 =	vshll.u32 v39, v1;
	v48 =	vld [tilespmem:s21+$0x0];
	[tilespmem:v50+s13+$0x0] =	vst.idx.msk $0xffff, v47  }
0x44: {  	v36 =	vbroadcast v36, $0x0;
	v47 =	vadd.s32 v30, v41;
	[tilespmem:v52+s13+$0x0] =	vst.idx.msk $0xffff, v51;
	v39 =	vld [tilespmem:s21+$0xD0]  }
0x45: {  	[tilespmem:v42+s13+$0x0] =	vst.idx.msk $0xffff, v40;
	v40 =	vld [tilespmem:s21+$0x40];
	v42 =	vadd.s32 v21, v37  }
0x46: {  	[tilespmem:v44+s13+$0x0] =	vst.idx.msk $0xffff, v43;
	v43 =	vld [tilespmem:s21+$0x80];
	v44 =	vadd.s32 v25, v36  }
0x47: {  	v51 =	vadd.s32 v6, v45;
	v50 =	vld [tilespmem:s21+$0xFFFFFF50];
	[tilespmem:v46+s13+$0x0] =	vst.idx.msk $0xffff, v38  }
0x48: {  	v46 =	vadd.s32 v10, v55;
	v38 =	vld [tilespmem:s21+$0xFFFFFF90];
	[tilespmem:v49+s13+$0x0] =	vst.idx.msk $0xffff, v48  }
0x49: {  	v49 =	vadd.s32 v14, v35;
	v48 =	vld [tilespmem:s21+$0xFFFFFFD0];
	[tilespmem:v47+s13+$0x0] =	vst.idx.msk $0xffff, v39  }
0x4a: {  	[tilespmem:v42+s13+$0x0] =	vst.idx.msk $0xffff, v40;
	v39 =	vld [tilespmem:s21+$0xE0];
	v40 =	vadd.s32 v31, v41  }
0x4b: {  	v47 =	vadd.s32 v18, v34;
	v42 =	vld [tilespmem:s21+$0x10];
	[tilespmem:v44+s13+$0x0] =	vst.idx.msk $0xffff, v43  }
0x4c: {  	v44 =	vadd.s32 v22, v37;
	[tilespmem:v51+s13+$0x0] =	vst.idx.msk $0xffff, v50;
	v43 =	vld [tilespmem:s21+$0x50]  }
0x4d: {  	[tilespmem:v46+s13+$0x0] =	vst.idx.msk $0xffff, v38;
	v38 =	vld [tilespmem:s21+$0x90];
	v46 =	vadd.s32 v26, v36  }
0x4e: {  	v51 =	vadd.s32 v2, v33;
	v50 =	vld [tilespmem:s21+$0xFFFFFF10];
	[tilespmem:v49+s13+$0x0] =	vst.idx.msk $0xffff, v48  }
0x4f: {  	v49 =	vadd.s32 v7, v45;
	v48 =	vld [tilespmem:s21+$0xFFFFFF60];
	[tilespmem:v40+s13+$0x0] =	vst.idx.msk $0xffff, v39  }
0x50: {  	[tilespmem:v47+s13+$0x0] =	vst.idx.msk $0xffff, v42;
	v39 =	vld [tilespmem:s21+$0xF0];
	v47 =	vadd.s32 v32, v41  }
0x51: {  	v56 =	vadd.s32 v11, v55;
	v52 =	vld [tilespmem:s21+$0xFFFFFFA0];
	[tilespmem:v44+s13+$0x0] =	vst.idx.msk $0xffff, v43  }
0x52: {  	v58 =	vadd.s32 v15, v35;
	v57 =	vld [tilespmem:s21+$0xFFFFFFE0];
	[tilespmem:v46+s13+$0x0] =	vst.idx.msk $0xffff, v38  }
0x53: {  	v60 =	vadd.s32 v19, v34;
	[tilespmem:v51+s13+$0x0] =	vst.idx.msk $0xffff, v50;
	v59 =	vld [tilespmem:s21+$0x20]  }
.Ltmp0:
0x54: {  	s23 =	sadd.s32 $0x1, s22;
	v41 =	vadd.s32 v23, v37;
	v38 =	vmov s22;
	[tilespmem:v49+s13+$0x0] =	vst.idx.msk $0xffff, v48;
	v40 =	vld [tilespmem:s21+$0x60];
	(pc) =	sbr.rel @p1 .LBB2_3-.Ltmp0, $4  }
0x55: {  	s24 =	sadd.s32 $0x3, s22;
	v53 =	vmov s23;
	s23 =	sadd.s32 $0x2, s22;
	v43 =	vadd.s32 v27, v36;
	v50 =	vshrl.u32 v38, $0x3;
	v42 =	vld [tilespmem:s21+$0xA0];
	[tilespmem:v47+s13+$0x0] =	vst.idx.msk $0xffff, v39  }
0x56: {  	v54 =	vmov s23;
	s23 =	sadd.s32 $0x4, s22;
	v44 =	vmov s24;
	s24 =	sadd.s32 $0x5, s22;
	v48 =	vadd.s32 v3, v33;
	v46 =	vld [tilespmem:s21+$0xFFFFFF20];
	[tilespmem:v56+s13+$0x0] =	vst.idx.msk $0xffff, v52  }
0x57: {  	v38 =	vmov s24;
	v51 =	vadd.s32 v8, v45;
	v47 =	vmov s23;
	s23 =	sadd.s32 $0x6, s22;
	v49 =	vld [tilespmem:s21+$0xFFFFFF70];
	[tilespmem:v58+s13+$0x0] =	vst.idx.msk $0xffff, v57  }
0x58: {  	v45 =	vshll.u32 v50, v1;
	v39 =	vmov s23;
	s23 =	sadd.s32 $0x7, s22;
	s22 =	sadd.s32 $0x8, s22;
	v52 =	vadd.s32 v12, v55;
	v50 =	vld [tilespmem:s21+$0xFFFFFFB0];
	[tilespmem:v60+s13+$0x0] =	vst.idx.msk $0xffff, v59  }
0x59: {  	_ =	sdelay $0x2  }
0x5a: {  	v53 =	vshrl.u32 v53, $0x3  }
0x5b: {  	v55 =	vmov s23;
	v56 =	vld [tilespmem:s21+$0xFFFFFFF0];
	v35 =	vadd.s32 v16, v35;
	[tilespmem:v41+s13+$0x0] =	vst.idx.msk $0xffff, v40;
	v57 =	vshrl.u32 v54, $0x3  }
0x5c: {  	v59 =	vld [tilespmem:s21+$0x30];
	v34 =	vadd.s32 v20, v34;
	v60 =	vshrl.u32 v44, $0x3;
	v58 =	vshrl.u32 v55, $0x3;
	[tilespmem:v43+s13+$0x0] =	vst.idx.msk $0xffff, v42  }
0x5d: {  	v37 =	vadd.s32 v24, v37;
	v62 =	vshrl.u32 v47, $0x3;
	v61 =	vld [tilespmem:s21+$0x70];
	v41 =	vshll.u32 v58, v1;
	[tilespmem:v48+s13+$0x0] =	vst.idx.msk $0xffff, v46  }
0x5e: {  	v36 =	vadd.s32 v28, v36;
	v45 =	vbroadcast v45, $0x0;
	v63 =	vld [tilespmem:s21+$0xB0];
	v41 =	vbroadcast v41, $0x0;
	[tilespmem:v51+s13+$0x0] =	vst.idx.msk $0xffff, v49  }
0x5f: {  	v33 =	vadd.s32 v4, v33;
	s24 =	sadd.s32 $0x200, s21;
	v38 =	vshrl.u32 v38, $0x3;
	v55 =	vshll.u32 v53, v1;
	v48 =	vld [tilespmem:s21+$0xFFFFFF30];
	[tilespmem:v52+s13+$0x0] =	vst.idx.msk $0xffff, v50  }
0x60: {  	v40 =	vshll.u32 v57, v1;
	v47 =	vbroadcast v55, $0x0;
	v49 =	vld [tilespmem:s24+$0xC0];
	v50 =	vadd.s32 v29, v41;
	[tilespmem:v35+s13+$0x0] =	vst.idx.msk $0xffff, v56  }
0x61: {  	v42 =	vshll.u32 v60, v1;
	v40 =	vbroadcast v40, $0x0;
	v35 =	vld [tilespmem:s24+$0xFFFFFF00];
	v56 =	vadd.s32 v0, v45;
	[tilespmem:v34+s13+$0x0] =	vst.idx.msk $0xffff, v59  }
0x62: {  	v57 =	vld [tilespmem:s24+$0xFFFFFF40];
	v44 =	vshll.u32 v62, v1;
	v42 =	vbroadcast v42, $0x0;
	v58 =	vadd.s32 v5, v47;
	[tilespmem:v37+s13+$0x0] =	vst.idx.msk $0xffff, v61  }
0x63: {  	v38 =	vshll.u32 v38, v1;
	v44 =	vbroadcast v44, $0x0;
	v60 =	vadd.s32 v9, v40;
	v59 =	vld [tilespmem:s24+$0xFFFFFF80];
	[tilespmem:v36+s13+$0x0] =	vst.idx.msk $0xffff, v63  }
0x64: {  	v38 =	vbroadcast v38, $0x0;
	v62 =	vadd.s32 v13, v42;
	v61 =	vld [tilespmem:s24+$0xFFFFFFC0];
	[tilespmem:v33+s13+$0x0] =	vst.idx.msk $0xffff, v48  }
0x65: {  	v39 =	vshrl.u32 v39, $0x3;
	v63 =	vadd.s32 v17, v44;
	v33 =	vld [tilespmem:s24+$0x0];
	[tilespmem:v50+s13+$0x0] =	vst.idx.msk $0xffff, v49  }
0x66: {  	v39 =	vshll.u32 v39, v1;
	v34 =	vld [tilespmem:s24+$0x40];
	[tilespmem:v56+s13+$0x0] =	vst.idx.msk $0xffff, v35;
	v56 =	vadd.s32 v21, v38  }
0x67: {  	[tilespmem:v58+s13+$0x0] =	vst.idx.msk $0xffff, v57;
	v35 =	vbroadcast v39, $0x0;
	v49 =	vadd.s32 v30, v41;
	v39 =	vld [tilespmem:s24+$0xD0]  }
0x68: {  	[tilespmem:v60+s13+$0x0] =	vst.idx.msk $0xffff, v59;
	v59 =	vld [tilespmem:s24+$0xFFFFFF50];
	v60 =	vadd.s32 v6, v47  }
0x69: {  	v57 =	vld [tilespmem:s24+$0x80];
	[tilespmem:v62+s13+$0x0] =	vst.idx.msk $0xffff, v61;
	v58 =	vadd.s32 v25, v35  }
0x6a: {  	v61 =	vld [tilespmem:s24+$0xFFFFFF90];
	v62 =	vadd.s32 v10, v40;
	[tilespmem:v63+s13+$0x0] =	vst.idx.msk $0xffff, v33  }
0x6b: {  	v33 =	vld [tilespmem:s24+$0xFFFFFFD0];
	v63 =	vadd.s32 v14, v42;
	[tilespmem:v56+s13+$0x0] =	vst.idx.msk $0xffff, v34  }
0x6c: {  	v56 =	vadd.s32 v18, v44;
	[tilespmem:v49+s13+$0x0] =	vst.idx.msk $0xffff, v39;
	v49 =	vld [tilespmem:s24+$0x10]  }
0x6d: {  	[tilespmem:v60+s13+$0x0] =	vst.idx.msk $0xffff, v59;
	v39 =	vadd.s32 v31, v41;
	v34 =	vld [tilespmem:s24+$0xE0]  }
0x6e: {  	[tilespmem:v58+s13+$0x0] =	vst.idx.msk $0xffff, v57;
	v57 =	vld [tilespmem:s24+$0x50];
	v58 =	vadd.s32 v22, v38  }
0x6f: {  	[tilespmem:v62+s13+$0x0] =	vst.idx.msk $0xffff, v61;
	v61 =	vld [tilespmem:s24+$0xFFFFFF10];
	v62 =	vadd.s32 v2, v45  }
0x70: {  	v60 =	vadd.s32 v26, v35;
	v59 =	vld [tilespmem:s24+$0x90];
	[tilespmem:v63+s13+$0x0] =	vst.idx.msk $0xffff, v33  }
0x71: {  	v55 =	vadd.s32 v11, v40;
	v54 =	vadd.s32 v32, v41;
	v41 =	vld [tilespmem:s24+$0xFFFFFFA0];
	[tilespmem:v56+s13+$0x0] =	vst.idx.msk $0xffff, v49  }
0x72: {  	v53 =	vadd.s32 v7, v47;
	v63 =	vld [tilespmem:s24+$0xFFFFFF60];
	[tilespmem:v39+s13+$0x0] =	vst.idx.msk $0xffff, v34  }
0x73: {  	v56 =	vld [tilespmem:s24+$0xFFFFFFE0];
	[tilespmem:v58+s13+$0x0] =	vst.idx.msk $0xffff, v57;
	v57 =	vadd.s32 v15, v42  }
0x74: {  	[tilespmem:v62+s13+$0x0] =	vst.idx.msk $0xffff, v61;
	v34 =	vld [tilespmem:s24+$0xF0]  }
0x75: {  	v58 =	vld [tilespmem:s24+$0x20];
	[tilespmem:v60+s13+$0x0] =	vst.idx.msk $0xffff, v59;
	v59 =	vadd.s32 v19, v44  }
0x76: {  	v61 =	vadd.s32 v23, v38;
	[tilespmem:v55+s13+$0x0] =	vst.idx.msk $0xffff, v41;
	v60 =	vld [tilespmem:s24+$0x60]  }
0x77: {  	[tilespmem:v53+s13+$0x0] =	vst.idx.msk $0xffff, v63;
	v63 =	vadd.s32 v27, v35;
	v62 =	vld [tilespmem:s24+$0xA0]  }
0x78: {  	v47 =	vadd.s32 v8, v47;
	v55 =	vld [tilespmem:s24+$0xFFFFFF70];
	[tilespmem:v57+s13+$0x0] =	vst.idx.msk $0xffff, v56  }
0x79: {  	v53 =	vld [tilespmem:s24+$0xFFFFFF20];
	[tilespmem:v54+s13+$0x0] =	vst.idx.msk $0xffff, v34;
	v54 =	vadd.s32 v3, v45  }
0x7a: {  	v40 =	vadd.s32 v12, v40;
	v56 =	vld [tilespmem:s24+$0xFFFFFFB0];
	[tilespmem:v59+s13+$0x0] =	vst.idx.msk $0xffff, v58  }
0x7b: {  	v42 =	vadd.s32 v16, v42;
	v57 =	vld [tilespmem:s24+$0xFFFFFFF0];
	[tilespmem:v61+s13+$0x0] =	vst.idx.msk $0xffff, v60  }
0x7c: {  	v59 =	vadd.s32 v20, v44;
	v58 =	vld [tilespmem:s24+$0x30];
	[tilespmem:v63+s13+$0x0] =	vst.idx.msk $0xffff, v62  }
0x7d: {  	v38 =	vadd.s32 v24, v38;
	v60 =	vld [tilespmem:s24+$0x70];
	[tilespmem:v47+s13+$0x0] =	vst.idx.msk $0xffff, v55  }
0x7e: {  	v35 =	vadd.s32 v28, v35;
	v61 =	vld [tilespmem:s24+$0xB0];
	[tilespmem:v54+s13+$0x0] =	vst.idx.msk $0xffff, v53  }
0x7f: {  	v63 =	vadd.s32 v4, v45;
	[tilespmem:v40+s13+$0x0] =	vst.idx.msk $0xffff, v56;
	v62 =	vld [tilespmem:s24+$0xFFFFFF30]  }
0x80: {  	[tilespmem:v42+s13+$0x0] =	vst.idx.msk $0xffff, v57  }
0x81: {  	s25 =	sshll.u32 s19, $0x13;
	[tilespmem:v59+s13+$0x0] =	vst.idx.msk $0xffff, v58  }
0x82: {  	s21 =	sor.u32 s6, s25;
	[tilespmem:v38+s13+$0x0] =	vst.idx.msk $0xffff, v60  }
0x83: {  	s21 =	sshrl.u32 s21, $0x3;
	[tilespmem:v35+s13+$0x0] =	vst.idx.msk $0xffff, v61  }
0x84: {  	s26 =	simm.s32 $0x5900;
	s22 =	sadd.s32 s2, s21;
	[tilespmem:v63+s13+$0x0] =	vst.idx.msk $0xffff, v62  }
0x85: {  	[hbm4b:s22+s3] =	stream.linear.scatter [tilespmem:s26], [sflag:$0x3], $0x80, $0x38;
	[tilespmem:$0xA100] =	vst v63  }
0x86: {  	s28 =	simm.s32 $0x5990;
	s29 =	sadd.s32 $0x10, s22  }
0x87: {  	[hbm4b:s29+s3] =	stream.linear.scatter [tilespmem:s28], [sflag:$0x3], $0x80, $0x38;
	[tilespmem:$0xA100] =	vst v63  }
0x88: {  	s30 =	simm.s32 $0x5A20;
	s23 =	simm.s32 $0x5AB0;
	s31 =	sadd.s32 $0x20, s22  }
0x89: {  	[hbm4b:s31+s3] =	stream.linear.scatter [tilespmem:s30], [sflag:$0x3], $0x80, $0x38;
	[tilespmem:$0xA100] =	vst v63  }
0x8a: {  	s25 =	simm.s32 $0x5B40;
	s21 =	simm.s32 $0x480;
	s24 =	sadd.s32 $0x30, s22  }
0x8b: {  	[hbm4b:s24+s3] =	stream.linear.scatter [tilespmem:s23], [sflag:$0x3], $0x80, $0x38;
	[tilespmem:$0xA100] =	vst v63  }
0x8c: {  	s26 =	sadd.s32 $0x40, s22;
	s28 =	simm.s32 $0x5BD0;
	s29 =	sadd.s32 $0x50, s22  }
0x8d: {  	[hbm4b:s26+s3] =	stream.linear.scatter [tilespmem:s25], [sflag:$0x3], $0x80, $0x38;
	[tilespmem:$0xA100] =	vst v63  }
0x8e: {  	s30 =	simm.s32 $0x5C60;
	s31 =	sadd.s32 $0x60, s22;
	s23 =	simm.s32 $0x2400  }
0x8f: {  	[hbm4b:s29+s3] =	stream.linear.scatter [tilespmem:s28], [sflag:$0x3], $0x80, $0x38;
	[tilespmem:$0xA100] =	vst v63  }
0x90: {  	s24 =	simm.s32 $0x5CF0;
	s25 =	sadd.s32 $0x70, s22;
	s22 =	sadd.s32 $0x1000, s22  }
0x91: {  	[hbm4b:s31+s3] =	stream.linear.scatter [tilespmem:s30], [sflag:$0x3], $0x80, $0x38;
	[tilespmem:$0xA100] =	vst v63  }
.LBB2_5:
0x92: {  	[hbm4b:s25+s3] =	stream.linear.scatter [tilespmem:s24], [sflag:$0x3], $0x80, $0x38;
	[tilespmem:$0xA100] =	vst v63  }
0x93: {  	s24 =	smov.u32 s21;
	s21 =	smov.u32 s23  }
0x94: {  	s26 =	sadd.s32 $0x1200, s23;
	s21 =	sshra.s32 s21, $0x2;
	s25 =	sadd.s32 $0x5900, s24  }
0x95: {  	[hbm4b:s22+s3] =	stream.linear.scatter [tilespmem:s25], [sflag:$0x3], $0x80, $0x38;
	[tilespmem:$0xA100] =	vst v63  }
0x96: {  	p1 =	sne.s32 s23, $0x7E00;
	s23 =	sadd.s32 $0x5990, s24;
	s25 =	sadd.s32 $0x10, s22  }
0x97: {  	[hbm4b:s25+s3] =	stream.linear.scatter [tilespmem:s23], [sflag:$0x3], $0x80, $0x38;
	[tilespmem:$0xA100] =	vst v63  }
0x98: {  	s23 =	sadd.s32 $0x5A20, s24;
	s25 =	sadd.s32 $0x20, s22  }
0x99: {  	[hbm4b:s25+s3] =	stream.linear.scatter [tilespmem:s23], [sflag:$0x3], $0x80, $0x38;
	[tilespmem:$0xA100] =	vst v63  }
0x9a: {  	s23 =	sadd.s32 $0x5AB0, s24;
	s25 =	sadd.s32 $0x30, s22  }
0x9b: {  	[hbm4b:s25+s3] =	stream.linear.scatter [tilespmem:s23], [sflag:$0x3], $0x80, $0x38;
	[tilespmem:$0xA100] =	vst v63  }
0x9c: {  	s23 =	sadd.s32 $0x5B40, s24;
	s25 =	sadd.s32 $0x40, s22  }
0x9d: {  	[hbm4b:s25+s3] =	stream.linear.scatter [tilespmem:s23], [sflag:$0x3], $0x80, $0x38;
	[tilespmem:$0xA100] =	vst v63  }
.Ltmp1:
0x9e: {  	s23 =	sadd.s32 $0x5BD0, s24;
	s25 =	sadd.s32 $0x50, s22;
	(pc) =	sbr.rel @p1 .LBB2_5-.Ltmp1, $4  }
0x9f: {  	[hbm4b:s25+s3] =	stream.linear.scatter [tilespmem:s23], [sflag:$0x3], $0x80, $0x38;
	[tilespmem:$0xA100] =	vst v63  }
0xa0: {  	s23 =	sadd.s32 $0x5C60, s24;
	s25 =	sadd.s32 $0x60, s22;
	s24 =	sadd.s32 $0x5CF0, s24  }
0xa1: {  	[hbm4b:s25+s3] =	stream.linear.scatter [tilespmem:s23], [sflag:$0x3], $0x80, $0x38;
	[tilespmem:$0xA100] =	vst v63  }
0xa2: {  	s25 =	sadd.s32 $0x70, s22;
	s22 =	sadd.s32 $0x1000, s22;
	s23 =	smov.u32 s26  }
0xa3: {  	[hbm4b:s25+s3] =	stream.linear.scatter [tilespmem:s24], [sflag:$0x3], $0x80, $0x38;
	[tilespmem:$0xA100] =	vst v63  }
0xa4: {  	s23 =	sadd.s32 $0x5900, s21  }
0xa5: {  	[hbm4b:s22+s3] =	stream.linear.scatter [tilespmem:s23], [sflag:$0x3], $0x80, $0x38;
	[tilespmem:$0xA100] =	vst v63  }
0xa6: {  	s30 =	sadd.s32 $0x5990, s21;
	s31 =	sadd.s32 $0x10, s22  }
0xa7: {  	[hbm4b:s31+s3] =	stream.linear.scatter [tilespmem:s30], [sflag:$0x3], $0x80, $0x38;
	[tilespmem:$0xA100] =	vst v63  }
0xa8: {  	s25 =	sadd.s32 $0x5A20, s21;
	s26 =	sadd.s32 $0x20, s22  }
0xa9: {  	[hbm4b:s26+s3] =	stream.linear.scatter [tilespmem:s25], [sflag:$0x3], $0x80, $0x38;
	[tilespmem:$0xA100] =	vst v63  }
0xaa: {  	s28 =	sadd.s32 $0x5AB0, s21;
	s29 =	sadd.s32 $0x30, s22  }
0xab: {  	[hbm4b:s29+s3] =	stream.linear.scatter [tilespmem:s28], [sflag:$0x3], $0x80, $0x38;
	[tilespmem:$0xA100] =	vst v63  }
0xac: {  	s30 =	sadd.s32 $0x5B40, s21;
	s31 =	sadd.s32 $0x40, s22  }
0xad: {  	[hbm4b:s31+s3] =	stream.linear.scatter [tilespmem:s30], [sflag:$0x3], $0x80, $0x38;
	[tilespmem:$0xA100] =	vst v63  }
0xae: {  	p1 =	sne.s32 s19, $0x18;
	s25 =	sadd.s32 $0x5BD0, s21;
	s26 =	sadd.s32 $0x50, s22  }
0xaf: {  	[hbm4b:s26+s3] =	stream.linear.scatter [tilespmem:s25], [sflag:$0x3], $0x80, $0x38;
	[tilespmem:$0xA100] =	vst v63  }
.Ltmp2:
0xb0: {  	_ = 	snop;
	(pc) =	sbr.rel @p1 .LBB2_8-.Ltmp2, $4  }
0xb1: {  	s28 =	sadd.s32 $0x5C60, s21;
	s29 =	sadd.s32 $0x60, s22  }
0xb2: {  	[hbm4b:s29+s3] =	stream.linear.scatter [tilespmem:s28], [sflag:$0x3], $0x80, $0x38;
	[tilespmem:$0xA100] =	vst v63  }
0xb3: {  	s30 =	sadd.s32 $0x5CF0, s21;
	s31 =	sadd.s32 $0x70, s22  }
0xb4: {  	[hbm4b:s31+s3] =	stream.linear.scatter [tilespmem:s30], [sflag:$0x3], $0x80, $0x38;
	[tilespmem:$0xA100] =	vst v63  }
.Ltmp3:
0xb5: {  	(pc) =	sbr.rel .LBB2_9-.Ltmp3, $4  }
0xb6: {  	_ = 	snop  }
0xb7: {  	_ =	swait.ge [sflag:s14], $0x2000  }
0xb8: {  	[sflag:s14] =	ssyncset.done $0x0  }
0xb9: {  	[sflag:s14] =	ssyncadd.s32 $0xFFFFE000  }
.LBB2_8:
0xba: {  	s21 =	sshll.u32 s19, $0x8  }
0xbb: {  	s21 =	sand.u32 $0x3FFFFF00, s21  }
.Ltmp4:
0xbc: {  	s21 =	sadd.s32 $0x100, s21;
	(pc) =	sbr.rel @p0 .LBB2_10-.Ltmp4, $4  }
0xbd: {  	[tilespmem:s10], [sflag:$0x1] =	stream.indirect.gather [hbm4b:s4+s9], $0x40, s21, s9, $0xb8;
	[tilespmem:$0xA100] =	vst v63  }
0xbe: {  	_ =	swait.ge [sflag:s14], $0x2000  }
0xbf: {  	[sflag:s14] =	ssyncset.done $0x0  }
0xc0: {  	[sflag:s14] =	ssyncadd.s32 $0xFFFFE000  }
.LBB2_9:
0xc1: {  	_ =	swait.ge [sflag:s15], $0x2000  }
0xc2: {  	[sflag:s15] =	ssyncset.done $0x0  }
0xc3: {  	[sflag:s15] =	ssyncadd.s32 $0xFFFFE000  }
.LBB2_10:
0xc4: {  	s21 =	simm.s32 $0x0;
	s28 =	simm.s32 $0x1;
	s22 =	simm.s32 $0x2  }
0xc5: {  	s29 =	simm.s32 $0x3;
	s30 =	simm.s32 $0x4;
	s23 =	simm.s32 $0x7;
	v33 =	vmov s21;
	v34 =	vmov s28;
	v35 =	vmov s22  }
0xc6: {  	s31 =	simm.s32 $0x5;
	v36 =	vmov s29;
	v37 =	vmov s30;
	v38 =	vmov s23  }
0xc7: {  	v39 =	vmov s31;
	s23 =	simm.s32 $0x6;
	v33 =	vshrl.u32 v33, $0x3;
	v38 =	vshrl.u32 v38, $0x3  }
0xc8: {  	v40 =	vmov s23;
	v34 =	vshrl.u32 v34, $0x3;
	v35 =	vshrl.u32 v35, $0x3  }
0xc9: {  	v36 =	vshrl.u32 v36, $0x3;
	v37 =	vshrl.u32 v37, $0x3;
	v38 =	vshll.u32 v38, v1  }
0xca: {  	v55 =	vshrl.u32 v39, $0x3;
	v33 =	vshll.u32 v33, v1;
	v38 =	vbroadcast v38, $0x0  }
0xcb: {  	s21 =	simm.s32 $0x3A00;
	v34 =	vshll.u32 v34, v1;
	v52 =	vshll.u32 v35, v1;
	v33 =	vbroadcast v33, $0x0  }
0xcc: {  	v41 =	vld [tilespmem:s21+$0xC0];
	v53 =	vshll.u32 v36, v1;
	v45 =	vbroadcast v34, $0x0;
	v42 =	vadd.s32 v29, v38  }
0xcd: {  	v43 =	vld [tilespmem:s21+$0xFFFFFF00];
	v54 =	vshll.u32 v37, v1;
	v52 =	vbroadcast v52, $0x0;
	v44 =	vadd.s32 v0, v33  }
0xce: {  	v46 =	vld [tilespmem:s21+$0xFFFFFF40];
	v36 =	vshll.u32 v55, v1;
	v35 =	vbroadcast v53, $0x0;
	v47 =	vadd.s32 v5, v45  }
0xcf: {  	v48 =	vld [tilespmem:s21+$0xFFFFFF80];
	v40 =	vshrl.u32 v40, $0x3;
	v34 =	vbroadcast v54, $0x0;
	v49 =	vadd.s32 v9, v52  }
0xd0: {  	v39 =	vld [tilespmem:s21+$0xFFFFFFC0];
	v37 =	vbroadcast v36, $0x0;
	v56 =	vshll.u32 v40, v1;
	v50 =	vadd.s32 v13, v35  }
0xd1: {  	v51 =	vld [tilespmem:s21+$0x0];
	v36 =	vbroadcast v56, $0x0;
	v53 =	vadd.s32 v17, v34;
	[tilespmem:v42+s16+$0x0] =	vst.idx.msk $0xffff, v41  }
0xd2: {  	v59 =	vld [tilespmem:s21+$0x40];
	v60 =	vadd.s32 v21, v37;
	[tilespmem:v44+s16+$0x0] =	vst.idx.msk $0xffff, v43  }
0xd3: {  	v61 =	vld [tilespmem:s21+$0x80];
	v62 =	vadd.s32 v25, v36;
	[tilespmem:v47+s16+$0x0] =	vst.idx.msk $0xffff, v46  }
0xd4: {  	v58 =	vadd.s32 v30, v38;
	[tilespmem:v49+s16+$0x0] =	vst.idx.msk $0xffff, v48;
	v57 =	vld [tilespmem:s21+$0xD0]  }
0xd5: {  	v63 =	vadd.s32 v6, v45;
	[tilespmem:v50+s16+$0x0] =	vst.idx.msk $0xffff, v39;
	v47 =	vld [tilespmem:s21+$0xFFFFFF50]  }
0xd6: {  	v55 =	vadd.s32 v10, v52;
	[tilespmem:v53+s16+$0x0] =	vst.idx.msk $0xffff, v51;
	v54 =	vld [tilespmem:s21+$0xFFFFFF90]  }
0xd7: {  	v56 =	vadd.s32 v14, v35;
	[tilespmem:v60+s16+$0x0] =	vst.idx.msk $0xffff, v59;
	v50 =	vld [tilespmem:s21+$0xFFFFFFD0]  }
0xd8: {  	v46 =	vadd.s32 v22, v37;
	[tilespmem:v62+s16+$0x0] =	vst.idx.msk $0xffff, v61;
	v44 =	vld [tilespmem:s21+$0x50]  }
0xd9: {  	v59 =	vadd.s32 v18, v34;
	[tilespmem:v58+s16+$0x0] =	vst.idx.msk $0xffff, v57;
	v58 =	vld [tilespmem:s21+$0x10]  }
0xda: {  	v57 =	vadd.s32 v31, v38;
	[tilespmem:v63+s16+$0x0] =	vst.idx.msk $0xffff, v47;
	v40 =	vld [tilespmem:s21+$0xE0]  }
0xdb: {  	v60 =	vadd.s32 v26, v36;
	[tilespmem:v55+s16+$0x0] =	vst.idx.msk $0xffff, v54;
	v63 =	vld [tilespmem:s21+$0x90]  }
0xdc: {  	v61 =	vld [tilespmem:s21+$0xFFFFFF10];
	v62 =	vadd.s32 v2, v33;
	[tilespmem:v56+s16+$0x0] =	vst.idx.msk $0xffff, v50  }
0xdd: {  	v51 =	vadd.s32 v7, v45;
	[tilespmem:v46+s16+$0x0] =	vst.idx.msk $0xffff, v44;
	v50 =	vld [tilespmem:s21+$0xFFFFFF60]  }
0xde: {  	v56 =	vadd.s32 v11, v52;
	v55 =	vld [tilespmem:s21+$0xFFFFFFA0];
	[tilespmem:v59+s16+$0x0] =	vst.idx.msk $0xffff, v58  }
0xdf: {  	v58 =	vadd.s32 v15, v35;
	[tilespmem:v57+s16+$0x0] =	vst.idx.msk $0xffff, v40;
	v57 =	vld [tilespmem:s21+$0xFFFFFFE0]  }
0xe0: {  	[tilespmem:v60+s16+$0x0] =	vst.idx.msk $0xffff, v63;
	v60 =	vadd.s32 v19, v34;
	v59 =	vld [tilespmem:s21+$0x20]  }
0xe1: {  	s25 =	simm.s32 $0x9;
	v38 =	vadd.s32 v32, v38;
	[tilespmem:v62+s16+$0x0] =	vst.idx.msk $0xffff, v61;
	v54 =	vld [tilespmem:s21+$0xF0]  }
0xe2: {  	s24 =	simm.s32 $0x8;
	v41 =	vadd.s32 v23, v37;
	v53 =	vmov s25;
	[tilespmem:v51+s16+$0x0] =	vst.idx.msk $0xffff, v50;
	v40 =	vld [tilespmem:s21+$0x60]  }
0xe3: {  	s28 =	simm.s32 $0xB;
	s29 =	simm.s32 $0xC;
	v43 =	vadd.s32 v27, v36;
	v48 =	vadd.s32 v3, v33;
	v63 =	vmov s24;
	v42 =	vld [tilespmem:s21+$0xA0];
	[tilespmem:v56+s16+$0x0] =	vst.idx.msk $0xffff, v55  }
0xe4: {  	s31 =	simm.s32 $0xE;
	v44 =	vmov s28;
	v47 =	vmov s29;
	v46 =	vld [tilespmem:s21+$0xFFFFFF20];
	v39 =	vshrl.u32 v63, $0x3;
	[tilespmem:v58+s16+$0x0] =	vst.idx.msk $0xffff, v57  }
0xe5: {  	s26 =	simm.s32 $0xA;
	s30 =	simm.s32 $0xD;
	v51 =	vadd.s32 v8, v45;
	v49 =	vld [tilespmem:s21+$0xFFFFFF70];
	v45 =	vshll.u32 v39, v1;
	v39 =	vmov s31;
	[tilespmem:v60+s16+$0x0] =	vst.idx.msk $0xffff, v59  }
0xe6: {  	s22 =	simm.s32 $0x10;
	s23 =	simm.s32 $0xF;
	v52 =	vadd.s32 v12, v52;
	v50 =	vld [tilespmem:s21+$0xFFFFFFB0];
	[tilespmem:v38+s16+$0x0] =	vst.idx.msk $0xffff, v54;
	v54 =	vmov s26;
	v38 =	vmov s30  }
.LBB2_11:
0xe7: {  	p0 =	slt.u32 s22, $0x78;
	v53 =	vshrl.u32 v53, $0x3;
	v55 =	vmov s23;
	v56 =	vld [tilespmem:s21+$0xFFFFFFF0];
	v35 =	vadd.s32 v16, v35;
	[tilespmem:v41+s16+$0x0] =	vst.idx.msk $0xffff, v40  }
0xe8: {  	v40 =	vshrl.u32 v54, $0x3;
	v34 =	vadd.s32 v20, v34;
	v41 =	vshrl.u32 v55, $0x3;
	v54 =	vld [tilespmem:s21+$0x30];
	[tilespmem:v43+s16+$0x0] =	vst.idx.msk $0xffff, v42  }
0xe9: {  	v37 =	vadd.s32 v24, v37;
	v42 =	vshrl.u32 v44, $0x3;
	v41 =	vshll.u32 v41, v1;
	[tilespmem:v48+s16+$0x0] =	vst.idx.msk $0xffff, v46;
	v43 =	vld [tilespmem:s21+$0x70]  }
0xea: {  	v36 =	vadd.s32 v28, v36;
	v44 =	vshrl.u32 v47, $0x3;
	v41 =	vbroadcast v41, $0x0;
	[tilespmem:v51+s16+$0x0] =	vst.idx.msk $0xffff, v49;
	v46 =	vld [tilespmem:s21+$0xB0]  }
0xeb: {  	v47 =	vshll.u32 v53, v1;
	v49 =	vadd.s32 v4, v33;
	v33 =	vbroadcast v45, $0x0;
	v48 =	vld [tilespmem:s21+$0xFFFFFF30];
	[tilespmem:v52+s16+$0x0] =	vst.idx.msk $0xffff, v50;
	s21 =	sadd.s32 $0x200, s21  }
0xec: {  	v40 =	vshll.u32 v40, v1;
	v45 =	vbroadcast v47, $0x0;
	v47 =	vld [tilespmem:s21+$0xC0];
	v50 =	vadd.s32 v29, v41;
	[tilespmem:v35+s16+$0x0] =	vst.idx.msk $0xffff, v56  }
0xed: {  	v55 =	vbroadcast v40, $0x0;
	v52 =	vadd.s32 v0, v33;
	v35 =	vshll.u32 v42, v1;
	v51 =	vld [tilespmem:s21+$0xFFFFFF00];
	[tilespmem:v34+s16+$0x0] =	vst.idx.msk $0xffff, v54  }
0xee: {  	v42 =	vadd.s32 v5, v45;
	v35 =	vbroadcast v35, $0x0;
	v34 =	vshll.u32 v44, v1;
	v40 =	vld [tilespmem:s21+$0xFFFFFF40];
	[tilespmem:v37+s16+$0x0] =	vst.idx.msk $0xffff, v43  }
0xef: {  	v44 =	vadd.s32 v9, v55;
	v34 =	vbroadcast v34, $0x0;
	v37 =	vshrl.u32 v38, $0x3;
	v43 =	vld [tilespmem:s21+$0xFFFFFF80];
	[tilespmem:v36+s16+$0x0] =	vst.idx.msk $0xffff, v46  }
0xf0: {  	v39 =	vshrl.u32 v39, $0x3;
	v46 =	vadd.s32 v13, v35;
	v36 =	vshll.u32 v37, v1;
	v38 =	vld [tilespmem:s21+$0xFFFFFFC0];
	[tilespmem:v49+s16+$0x0] =	vst.idx.msk $0xffff, v48  }
0xf1: {  	v49 =	vadd.s32 v17, v34;
	v37 =	vbroadcast v36, $0x0;
	v36 =	vshll.u32 v39, v1;
	v48 =	vld [tilespmem:s21+$0x0];
	[tilespmem:v50+s16+$0x0] =	vst.idx.msk $0xffff, v47  }
0xf2: {  	v36 =	vbroadcast v36, $0x0;
	v47 =	vadd.s32 v30, v41;
	[tilespmem:v52+s16+$0x0] =	vst.idx.msk $0xffff, v51;
	v39 =	vld [tilespmem:s21+$0xD0]  }
0xf3: {  	[tilespmem:v42+s16+$0x0] =	vst.idx.msk $0xffff, v40;
	v40 =	vld [tilespmem:s21+$0x40];
	v42 =	vadd.s32 v21, v37  }
0xf4: {  	[tilespmem:v44+s16+$0x0] =	vst.idx.msk $0xffff, v43;
	v43 =	vld [tilespmem:s21+$0x80];
	v44 =	vadd.s32 v25, v36  }
0xf5: {  	v51 =	vadd.s32 v6, v45;
	v50 =	vld [tilespmem:s21+$0xFFFFFF50];
	[tilespmem:v46+s16+$0x0] =	vst.idx.msk $0xffff, v38  }
0xf6: {  	v46 =	vadd.s32 v10, v55;
	v38 =	vld [tilespmem:s21+$0xFFFFFF90];
	[tilespmem:v49+s16+$0x0] =	vst.idx.msk $0xffff, v48  }
0xf7: {  	v49 =	vadd.s32 v14, v35;
	v48 =	vld [tilespmem:s21+$0xFFFFFFD0];
	[tilespmem:v47+s16+$0x0] =	vst.idx.msk $0xffff, v39  }
0xf8: {  	[tilespmem:v42+s16+$0x0] =	vst.idx.msk $0xffff, v40;
	v39 =	vld [tilespmem:s21+$0xE0];
	v40 =	vadd.s32 v31, v41  }
0xf9: {  	v47 =	vadd.s32 v18, v34;
	v42 =	vld [tilespmem:s21+$0x10];
	[tilespmem:v44+s16+$0x0] =	vst.idx.msk $0xffff, v43  }
0xfa: {  	v44 =	vadd.s32 v22, v37;
	[tilespmem:v51+s16+$0x0] =	vst.idx.msk $0xffff, v50;
	v43 =	vld [tilespmem:s21+$0x50]  }
0xfb: {  	[tilespmem:v46+s16+$0x0] =	vst.idx.msk $0xffff, v38;
	v38 =	vld [tilespmem:s21+$0x90];
	v46 =	vadd.s32 v26, v36  }
0xfc: {  	v51 =	vadd.s32 v2, v33;
	v50 =	vld [tilespmem:s21+$0xFFFFFF10];
	[tilespmem:v49+s16+$0x0] =	vst.idx.msk $0xffff, v48  }
0xfd: {  	v49 =	vadd.s32 v7, v45;
	v48 =	vld [tilespmem:s21+$0xFFFFFF60];
	[tilespmem:v40+s16+$0x0] =	vst.idx.msk $0xffff, v39  }
0xfe: {  	[tilespmem:v47+s16+$0x0] =	vst.idx.msk $0xffff, v42;
	v39 =	vld [tilespmem:s21+$0xF0];
	v47 =	vadd.s32 v32, v41  }
0xff: {  	v56 =	vadd.s32 v11, v55;
	v52 =	vld [tilespmem:s21+$0xFFFFFFA0];
	[tilespmem:v44+s16+$0x0] =	vst.idx.msk $0xffff, v43  }
0x100: {  	v58 =	vadd.s32 v15, v35;
	v57 =	vld [tilespmem:s21+$0xFFFFFFE0];
	[tilespmem:v46+s16+$0x0] =	vst.idx.msk $0xffff, v38  }
0x101: {  	v60 =	vadd.s32 v19, v34;
	[tilespmem:v51+s16+$0x0] =	vst.idx.msk $0xffff, v50;
	v59 =	vld [tilespmem:s21+$0x20]  }
.Ltmp5:
0x102: {  	s23 =	sadd.s32 $0x1, s22;
	v41 =	vadd.s32 v23, v37;
	v38 =	vmov s22;
	[tilespmem:v49+s16+$0x0] =	vst.idx.msk $0xffff, v48;
	v40 =	vld [tilespmem:s21+$0x60];
	(pc) =	sbr.rel @p0 .LBB2_11-.Ltmp5, $4  }
0x103: {  	s24 =	sadd.s32 $0x3, s22;
	v53 =	vmov s23;
	s23 =	sadd.s32 $0x2, s22;
	v43 =	vadd.s32 v27, v36;
	v50 =	vshrl.u32 v38, $0x3;
	v42 =	vld [tilespmem:s21+$0xA0];
	[tilespmem:v47+s16+$0x0] =	vst.idx.msk $0xffff, v39  }
0x104: {  	v54 =	vmov s23;
	s23 =	sadd.s32 $0x4, s22;
	v44 =	vmov s24;
	s24 =	sadd.s32 $0x5, s22;
	v48 =	vadd.s32 v3, v33;
	v46 =	vld [tilespmem:s21+$0xFFFFFF20];
	[tilespmem:v56+s16+$0x0] =	vst.idx.msk $0xffff, v52  }
0x105: {  	v38 =	vmov s24;
	v51 =	vadd.s32 v8, v45;
	v47 =	vmov s23;
	s23 =	sadd.s32 $0x6, s22;
	v49 =	vld [tilespmem:s21+$0xFFFFFF70];
	[tilespmem:v58+s16+$0x0] =	vst.idx.msk $0xffff, v57  }
0x106: {  	v45 =	vshll.u32 v50, v1;
	v39 =	vmov s23;
	s23 =	sadd.s32 $0x7, s22;
	s22 =	sadd.s32 $0x8, s22;
	v52 =	vadd.s32 v12, v55;
	v50 =	vld [tilespmem:s21+$0xFFFFFFB0];
	[tilespmem:v60+s16+$0x0] =	vst.idx.msk $0xffff, v59  }
0x107: {  	_ =	sdelay $0x2  }
0x108: {  	v53 =	vshrl.u32 v53, $0x3  }
0x109: {  	v55 =	vmov s23;
	v56 =	vld [tilespmem:s21+$0xFFFFFFF0];
	v35 =	vadd.s32 v16, v35;
	[tilespmem:v41+s16+$0x0] =	vst.idx.msk $0xffff, v40;
	v57 =	vshrl.u32 v54, $0x3  }
0x10a: {  	v59 =	vld [tilespmem:s21+$0x30];
	v34 =	vadd.s32 v20, v34;
	v60 =	vshrl.u32 v44, $0x3;
	v58 =	vshrl.u32 v55, $0x3;
	[tilespmem:v43+s16+$0x0] =	vst.idx.msk $0xffff, v42  }
0x10b: {  	v37 =	vadd.s32 v24, v37;
	v62 =	vshrl.u32 v47, $0x3;
	v61 =	vld [tilespmem:s21+$0x70];
	v41 =	vshll.u32 v58, v1;
	[tilespmem:v48+s16+$0x0] =	vst.idx.msk $0xffff, v46  }
0x10c: {  	v36 =	vadd.s32 v28, v36;
	v45 =	vbroadcast v45, $0x0;
	v63 =	vld [tilespmem:s21+$0xB0];
	v41 =	vbroadcast v41, $0x0;
	[tilespmem:v51+s16+$0x0] =	vst.idx.msk $0xffff, v49  }
0x10d: {  	v33 =	vadd.s32 v4, v33;
	s26 =	sadd.s32 $0x200, s21;
	v38 =	vshrl.u32 v38, $0x3;
	v55 =	vshll.u32 v53, v1;
	v48 =	vld [tilespmem:s21+$0xFFFFFF30];
	[tilespmem:v52+s16+$0x0] =	vst.idx.msk $0xffff, v50  }
0x10e: {  	v40 =	vshll.u32 v57, v1;
	v47 =	vbroadcast v55, $0x0;
	v49 =	vld [tilespmem:s26+$0xC0];
	v50 =	vadd.s32 v29, v41;
	[tilespmem:v35+s16+$0x0] =	vst.idx.msk $0xffff, v56  }
0x10f: {  	v42 =	vshll.u32 v60, v1;
	v40 =	vbroadcast v40, $0x0;
	v35 =	vld [tilespmem:s26+$0xFFFFFF00];
	v56 =	vadd.s32 v0, v45;
	[tilespmem:v34+s16+$0x0] =	vst.idx.msk $0xffff, v59  }
0x110: {  	v57 =	vld [tilespmem:s26+$0xFFFFFF40];
	v44 =	vshll.u32 v62, v1;
	v42 =	vbroadcast v42, $0x0;
	v58 =	vadd.s32 v5, v47;
	[tilespmem:v37+s16+$0x0] =	vst.idx.msk $0xffff, v61  }
0x111: {  	v38 =	vshll.u32 v38, v1;
	v44 =	vbroadcast v44, $0x0;
	v60 =	vadd.s32 v9, v40;
	v59 =	vld [tilespmem:s26+$0xFFFFFF80];
	[tilespmem:v36+s16+$0x0] =	vst.idx.msk $0xffff, v63  }
0x112: {  	v38 =	vbroadcast v38, $0x0;
	v62 =	vadd.s32 v13, v42;
	v61 =	vld [tilespmem:s26+$0xFFFFFFC0];
	[tilespmem:v33+s16+$0x0] =	vst.idx.msk $0xffff, v48  }
0x113: {  	v39 =	vshrl.u32 v39, $0x3;
	v63 =	vadd.s32 v17, v44;
	v33 =	vld [tilespmem:s26+$0x0];
	[tilespmem:v50+s16+$0x0] =	vst.idx.msk $0xffff, v49  }
0x114: {  	v39 =	vshll.u32 v39, v1;
	v34 =	vld [tilespmem:s26+$0x40];
	[tilespmem:v56+s16+$0x0] =	vst.idx.msk $0xffff, v35;
	v56 =	vadd.s32 v21, v38  }
0x115: {  	[tilespmem:v58+s16+$0x0] =	vst.idx.msk $0xffff, v57;
	v35 =	vbroadcast v39, $0x0;
	v49 =	vadd.s32 v30, v41;
	v39 =	vld [tilespmem:s26+$0xD0]  }
0x116: {  	[tilespmem:v60+s16+$0x0] =	vst.idx.msk $0xffff, v59;
	v59 =	vld [tilespmem:s26+$0xFFFFFF50];
	v60 =	vadd.s32 v6, v47  }
0x117: {  	v57 =	vld [tilespmem:s26+$0x80];
	[tilespmem:v62+s16+$0x0] =	vst.idx.msk $0xffff, v61;
	v58 =	vadd.s32 v25, v35  }
0x118: {  	v61 =	vld [tilespmem:s26+$0xFFFFFF90];
	v62 =	vadd.s32 v10, v40;
	[tilespmem:v63+s16+$0x0] =	vst.idx.msk $0xffff, v33  }
0x119: {  	v33 =	vld [tilespmem:s26+$0xFFFFFFD0];
	v63 =	vadd.s32 v14, v42;
	[tilespmem:v56+s16+$0x0] =	vst.idx.msk $0xffff, v34  }
0x11a: {  	v56 =	vadd.s32 v18, v44;
	[tilespmem:v49+s16+$0x0] =	vst.idx.msk $0xffff, v39;
	v49 =	vld [tilespmem:s26+$0x10]  }
0x11b: {  	[tilespmem:v60+s16+$0x0] =	vst.idx.msk $0xffff, v59;
	v39 =	vadd.s32 v31, v41;
	v34 =	vld [tilespmem:s26+$0xE0]  }
0x11c: {  	[tilespmem:v58+s16+$0x0] =	vst.idx.msk $0xffff, v57;
	v57 =	vld [tilespmem:s26+$0x50];
	v58 =	vadd.s32 v22, v38  }
0x11d: {  	[tilespmem:v62+s16+$0x0] =	vst.idx.msk $0xffff, v61;
	v61 =	vld [tilespmem:s26+$0xFFFFFF10];
	v62 =	vadd.s32 v2, v45  }
0x11e: {  	v60 =	vadd.s32 v26, v35;
	v59 =	vld [tilespmem:s26+$0x90];
	[tilespmem:v63+s16+$0x0] =	vst.idx.msk $0xffff, v33  }
0x11f: {  	v55 =	vadd.s32 v11, v40;
	v54 =	vadd.s32 v32, v41;
	v41 =	vld [tilespmem:s26+$0xFFFFFFA0];
	[tilespmem:v56+s16+$0x0] =	vst.idx.msk $0xffff, v49  }
0x120: {  	v53 =	vadd.s32 v7, v47;
	v63 =	vld [tilespmem:s26+$0xFFFFFF60];
	[tilespmem:v39+s16+$0x0] =	vst.idx.msk $0xffff, v34  }
0x121: {  	v56 =	vld [tilespmem:s26+$0xFFFFFFE0];
	[tilespmem:v58+s16+$0x0] =	vst.idx.msk $0xffff, v57;
	v57 =	vadd.s32 v15, v42  }
0x122: {  	[tilespmem:v62+s16+$0x0] =	vst.idx.msk $0xffff, v61;
	v34 =	vld [tilespmem:s26+$0xF0]  }
0x123: {  	v58 =	vld [tilespmem:s26+$0x20];
	[tilespmem:v60+s16+$0x0] =	vst.idx.msk $0xffff, v59;
	v59 =	vadd.s32 v19, v44  }
0x124: {  	v61 =	vadd.s32 v23, v38;
	[tilespmem:v55+s16+$0x0] =	vst.idx.msk $0xffff, v41;
	v60 =	vld [tilespmem:s26+$0x60]  }
0x125: {  	[tilespmem:v53+s16+$0x0] =	vst.idx.msk $0xffff, v63;
	v63 =	vadd.s32 v27, v35;
	v62 =	vld [tilespmem:s26+$0xA0]  }
0x126: {  	v47 =	vadd.s32 v8, v47;
	v55 =	vld [tilespmem:s26+$0xFFFFFF70];
	[tilespmem:v57+s16+$0x0] =	vst.idx.msk $0xffff, v56  }
0x127: {  	v53 =	vld [tilespmem:s26+$0xFFFFFF20];
	[tilespmem:v54+s16+$0x0] =	vst.idx.msk $0xffff, v34;
	v54 =	vadd.s32 v3, v45  }
0x128: {  	v40 =	vadd.s32 v12, v40;
	v56 =	vld [tilespmem:s26+$0xFFFFFFB0];
	[tilespmem:v59+s16+$0x0] =	vst.idx.msk $0xffff, v58  }
0x129: {  	v42 =	vadd.s32 v16, v42;
	v57 =	vld [tilespmem:s26+$0xFFFFFFF0];
	[tilespmem:v61+s16+$0x0] =	vst.idx.msk $0xffff, v60  }
0x12a: {  	v59 =	vadd.s32 v20, v44;
	v58 =	vld [tilespmem:s26+$0x30];
	[tilespmem:v63+s16+$0x0] =	vst.idx.msk $0xffff, v62  }
0x12b: {  	v38 =	vadd.s32 v24, v38;
	v60 =	vld [tilespmem:s26+$0x70];
	[tilespmem:v47+s16+$0x0] =	vst.idx.msk $0xffff, v55  }
0x12c: {  	v35 =	vadd.s32 v28, v35;
	v61 =	vld [tilespmem:s26+$0xB0];
	[tilespmem:v54+s16+$0x0] =	vst.idx.msk $0xffff, v53  }
0x12d: {  	v63 =	vadd.s32 v4, v45;
	[tilespmem:v40+s16+$0x0] =	vst.idx.msk $0xffff, v56;
	v62 =	vld [tilespmem:s26+$0xFFFFFF30]  }
0x12e: {  	[tilespmem:v42+s16+$0x0] =	vst.idx.msk $0xffff, v57  }
0x12f: {  	s20 =	sshll.u32 s20, $0x12;
	[tilespmem:v59+s16+$0x0] =	vst.idx.msk $0xffff, v58  }
0x130: {  	s20 =	sor.u32 s6, s20;
	[tilespmem:v38+s16+$0x0] =	vst.idx.msk $0xffff, v60  }
0x131: {  	s20 =	sshrl.u32 s20, $0x3;
	[tilespmem:v35+s16+$0x0] =	vst.idx.msk $0xffff, v61  }
0x132: {  	s28 =	simm.s32 $0x7D00;
	s21 =	sadd.s32 s2, s20;
	[tilespmem:v63+s16+$0x0] =	vst.idx.msk $0xffff, v62  }
0x133: {  	[hbm4b:s21+s3] =	stream.linear.scatter [tilespmem:s28], [sflag:$0x4], $0x80, $0x38;
	[tilespmem:$0xA100] =	vst v63  }
0x134: {  	s29 =	simm.s32 $0x7D90;
	s22 =	sadd.s32 $0x10, s21  }
0x135: {  	[hbm4b:s22+s3] =	stream.linear.scatter [tilespmem:s29], [sflag:$0x4], $0x80, $0x38;
	[tilespmem:$0xA100] =	vst v63  }
0x136: {  	s30 =	simm.s32 $0x7E20;
	s23 =	simm.s32 $0x7EB0;
	s31 =	sadd.s32 $0x20, s21  }
0x137: {  	[hbm4b:s31+s3] =	stream.linear.scatter [tilespmem:s30], [sflag:$0x4], $0x80, $0x38;
	[tilespmem:$0xA100] =	vst v63  }
0x138: {  	s25 =	simm.s32 $0x7F40;
	s20 =	simm.s32 $0x480;
	s24 =	sadd.s32 $0x30, s21  }
0x139: {  	[hbm4b:s24+s3] =	stream.linear.scatter [tilespmem:s23], [sflag:$0x4], $0x80, $0x38;
	[tilespmem:$0xA100] =	vst v63  }
0x13a: {  	s26 =	sadd.s32 $0x40, s21;
	s28 =	simm.s32 $0x7FD0;
	s29 =	sadd.s32 $0x50, s21  }
0x13b: {  	[hbm4b:s26+s3] =	stream.linear.scatter [tilespmem:s25], [sflag:$0x4], $0x80, $0x38;
	[tilespmem:$0xA100] =	vst v63  }
0x13c: {  	s22 =	simm.s32 $0x2400;
	s30 =	simm.s32 $0x8060;
	s31 =	sadd.s32 $0x60, s21  }
0x13d: {  	[hbm4b:s29+s3] =	stream.linear.scatter [tilespmem:s28], [sflag:$0x4], $0x80, $0x38;
	[tilespmem:$0xA100] =	vst v63  }
0x13e: {  	s23 =	simm.s32 $0x80F0;
	s24 =	sadd.s32 $0x70, s21;
	s21 =	sadd.s32 $0x1000, s21  }
0x13f: {  	[hbm4b:s31+s3] =	stream.linear.scatter [tilespmem:s30], [sflag:$0x4], $0x80, $0x38;
	[tilespmem:$0xA100] =	vst v63  }
.LBB2_13:
0x140: {  	[hbm4b:s24+s3] =	stream.linear.scatter [tilespmem:s23], [sflag:$0x4], $0x80, $0x38;
	[tilespmem:$0xA100] =	vst v63  }
0x141: {  	s23 =	smov.u32 s20;
	s20 =	smov.u32 s22  }
0x142: {  	s25 =	sadd.s32 $0x1200, s22;
	s20 =	sshra.s32 s20, $0x2;
	s24 =	sadd.s32 $0x7D00, s23  }
0x143: {  	[hbm4b:s21+s3] =	stream.linear.scatter [tilespmem:s24], [sflag:$0x4], $0x80, $0x38;
	[tilespmem:$0xA100] =	vst v63  }
0x144: {  	p0 =	sne.s32 s22, $0x7E00;
	s22 =	sadd.s32 $0x7D90, s23;
	s24 =	sadd.s32 $0x10, s21  }
0x145: {  	[hbm4b:s24+s3] =	stream.linear.scatter [tilespmem:s22], [sflag:$0x4], $0x80, $0x38;
	[tilespmem:$0xA100] =	vst v63  }
0x146: {  	s22 =	sadd.s32 $0x7E20, s23;
	s24 =	sadd.s32 $0x20, s21  }
0x147: {  	[hbm4b:s24+s3] =	stream.linear.scatter [tilespmem:s22], [sflag:$0x4], $0x80, $0x38;
	[tilespmem:$0xA100] =	vst v63  }
0x148: {  	s22 =	sadd.s32 $0x7EB0, s23;
	s24 =	sadd.s32 $0x30, s21  }
0x149: {  	[hbm4b:s24+s3] =	stream.linear.scatter [tilespmem:s22], [sflag:$0x4], $0x80, $0x38;
	[tilespmem:$0xA100] =	vst v63  }
0x14a: {  	s22 =	sadd.s32 $0x7F40, s23;
	s24 =	sadd.s32 $0x40, s21  }
0x14b: {  	[hbm4b:s24+s3] =	stream.linear.scatter [tilespmem:s22], [sflag:$0x4], $0x80, $0x38;
	[tilespmem:$0xA100] =	vst v63  }
.Ltmp6:
0x14c: {  	s22 =	sadd.s32 $0x7FD0, s23;
	s24 =	sadd.s32 $0x50, s21;
	(pc) =	sbr.rel @p0 .LBB2_13-.Ltmp6, $4  }
0x14d: {  	[hbm4b:s24+s3] =	stream.linear.scatter [tilespmem:s22], [sflag:$0x4], $0x80, $0x38;
	[tilespmem:$0xA100] =	vst v63  }
0x14e: {  	s22 =	sadd.s32 $0x8060, s23;
	s24 =	sadd.s32 $0x60, s21;
	s23 =	sadd.s32 $0x80F0, s23  }
0x14f: {  	[hbm4b:s24+s3] =	stream.linear.scatter [tilespmem:s22], [sflag:$0x4], $0x80, $0x38;
	[tilespmem:$0xA100] =	vst v63  }
0x150: {  	s24 =	sadd.s32 $0x70, s21;
	s21 =	sadd.s32 $0x1000, s21;
	s22 =	smov.u32 s25  }
0x151: {  	[hbm4b:s24+s3] =	stream.linear.scatter [tilespmem:s23], [sflag:$0x4], $0x80, $0x38;
	[tilespmem:$0xA100] =	vst v63  }
0x152: {  	s22 =	sadd.s32 $0x7D00, s20  }
0x153: {  	[hbm4b:s21+s3] =	stream.linear.scatter [tilespmem:s22], [sflag:$0x4], $0x80, $0x38;
	[tilespmem:$0xA100] =	vst v63  }
0x154: {  	s25 =	sadd.s32 $0x7D90, s20;
	s26 =	sadd.s32 $0x10, s21  }
0x155: {  	[hbm4b:s26+s3] =	stream.linear.scatter [tilespmem:s25], [sflag:$0x4], $0x80, $0x38;
	[tilespmem:$0xA100] =	vst v63  }
0x156: {  	s28 =	sadd.s32 $0x7E20, s20;
	s29 =	sadd.s32 $0x20, s21  }
0x157: {  	[hbm4b:s29+s3] =	stream.linear.scatter [tilespmem:s28], [sflag:$0x4], $0x80, $0x38;
	[tilespmem:$0xA100] =	vst v63  }
0x158: {  	s30 =	sadd.s32 $0x7EB0, s20;
	s31 =	sadd.s32 $0x30, s21  }
0x159: {  	[hbm4b:s31+s3] =	stream.linear.scatter [tilespmem:s30], [sflag:$0x4], $0x80, $0x38;
	[tilespmem:$0xA100] =	vst v63  }
0x15a: {  	s23 =	sadd.s32 $0x7F40, s20;
	s24 =	sadd.s32 $0x40, s21;
	s19 =	sadd.s32 $0x1, s19  }
0x15b: {  	[hbm4b:s24+s3] =	stream.linear.scatter [tilespmem:s23], [sflag:$0x4], $0x80, $0x38;
	[tilespmem:$0xA100] =	vst v63  }
0x15c: {  	p0 =	sne.s32 s19, $0x19;
	s25 =	sadd.s32 $0x7FD0, s20;
	s26 =	sadd.s32 $0x50, s21  }
0x15d: {  	[hbm4b:s26+s3] =	stream.linear.scatter [tilespmem:s25], [sflag:$0x4], $0x80, $0x38;
	[tilespmem:$0xA100] =	vst v63  }
.Ltmp7:
0x15e: {  	_ = 	snop;
	(pc) =	sbr.rel @p0 .LBB2_2-.Ltmp7, $4  }
0x15f: {  	s28 =	sadd.s32 $0x8060, s20;
	s29 =	sadd.s32 $0x60, s21  }
0x160: {  	[hbm4b:s29+s3] =	stream.linear.scatter [tilespmem:s28], [sflag:$0x4], $0x80, $0x38;
	[tilespmem:$0xA100] =	vst v63  }
0x161: {  	s30 =	sadd.s32 $0x80F0, s20;
	s31 =	sadd.s32 $0x70, s21  }
0x162: {  	[hbm4b:s31+s3] =	stream.linear.scatter [tilespmem:s30], [sflag:$0x4], $0x80, $0x38;
	[tilespmem:$0xA100] =	vst v63  }
0x163: {  	s18 =	sadd.s32 $0x1, s18  }
0x164: {  	_ =	swait.ge [sflag:s17], $0x2000;
	p0 =	sne.s32 s18, s7  }
.Ltmp8:
0x165: {  	[sflag:s17] =	ssyncset.done $0x0;
	(pc) =	sbr.rel @p0 .LBB2_1-.Ltmp8, $4  }
0x166: {  	[sflag:s17] =	ssyncadd.s32 $0xFFFFE000  }
0x167: {  	_ =	swait.ge [sflag:s15], $0x2000  }
0x168: {  	[sflag:s15] =	ssyncset.done $0x0  }
0x169: {  	[sflag:s15] =	ssyncadd.s32 $0xFFFFE000  }
0x16a: {  	_ =	sfence.sel $0x180000  }
0x16b: {  	[bflag:$0x0] =	sbarrier.arrive $0xFFFF  }
0x16c: {  	p0 =	sne.s32 s0, $0x0;
	_ =	strace $0x90000047  }
0x16d: {  	s0 =	sadd.s32 @!p0 $0x100000, s1;
	[bflag:$0x2] =	sbarrier.arrive $0xFFFF  }
0x16e: {  	[sflag:s0] =	ssyncadd.tile.s32 @!p0 $0x1;
	_ =	shalt  }
.Lfunc_end2:
_tile_overlayer_lowered:
.L_overlay_start_2:
0x16f: {  	(tag) =	ssettag $0x2  }
0x170: {  	s0 =	rddreg [dreg:$0x0];
	s2 =	stileid.u32  }
0x171: {  	s1 =	rddreg [dreg:$0x1];
	p0 =	sne.s32 s2, $0x0  }
0x172: {  	s3 =	rddreg [dreg:$0x2];
	[bflag:$0x3] =	sbarrier.arrive $0xFFFF;
	s2 =	simm.s32 @!p0 $0x1C05  }
0x173: {  	[timem:s3], [sflag:s2] =	dma.local @!p0 [hbm:s0], s1  }
0x174: {  	s0 =	simm.s32 @!p0 $0x5  }
0x175: {  	_ =	swait.ge @!p0 [sflag:s0], s1  }
0x176: {  	s1 =	ssub.s32 @!p0 $0x0, s1;
	[sflag:s0] =	ssyncset.done @!p0 $0x0  }
0x177: {  	[sflag:s0] =	ssyncadd.s32 @!p0 s1  }
0x178: {  	[bflag:$0x3] =	sbarrier.arrive $0xFFFF  }
0x179: {  	_ =	shalt  }

</sc_bundles>
